<compile_context>
chip_gen: v7x
topology: tpu7x:2x2x1
jax: 0.10.2.dev20260603
libtpu: 0.0.44.dev20260713+nightly
codegen_flags: <defaults>
</compile_context>

<pallas_src>
import functools

import jax
import jax.numpy as jnp
from jax import lax
from jax.experimental import pallas as pl
from jax.experimental.pallas import tpu as pltpu
from jax.experimental.pallas import tpu_sc as plsc

N = 10000
E = 10000
M = 320000
DN = 128
DHA = 16
HID = 128

NC = 2
NS = 16
NW = NC * NS
CH = 128
NCH = 80
MPAD = NW * NCH * CH
JUNK = 10000
ACC_R = 10240
PTR = ACC_R // NS
RB = 1000



def _ln(h, g, t, eps=1e-5):
    mu = jnp.mean(h, axis=-1, keepdims=True)
    var = jnp.mean((h - mu) ** 2, axis=-1, keepdims=True)
    return (h - mu) * lax.rsqrt(var + eps) * g + t


def _node_mlp_body(x_r, w1_r, b1_r, g1_r, t1_r, w2_r, b2_r, o_r):
    h = jnp.dot(x_r[...], w1_r[...], preferred_element_type=jnp.float32)
    h = _ln(h + b1_r[...], g1_r[...], t1_r[...])
    h = jnp.maximum(h, 0.0)
    o_r[...] = jnp.dot(h, w2_r[...], preferred_element_type=jnp.float32) + b2_r[...]


def _node_mlp(x, w1, b1, g1, t1, w2, b2):
    nb = N // RB
    full = lambda i: (0, 0)
    vec = lambda i: (0, 0)
    return pl.pallas_call(
        _node_mlp_body,
        grid=(nb,),
        in_specs=[
            pl.BlockSpec((RB, DN), lambda i: (i, 0)),
            pl.BlockSpec((DN, HID), full),
            pl.BlockSpec((1, HID), vec),
            pl.BlockSpec((1, HID), vec),
            pl.BlockSpec((1, HID), vec),
            pl.BlockSpec((HID, HID), full),
            pl.BlockSpec((1, HID), vec),
        ],
        out_specs=pl.BlockSpec((RB, HID), lambda i: (i, 0)),
        out_shape=jax.ShapeDtypeStruct((N, HID), jnp.float32),
    )(x, w1, b1, g1, t1, w2, b2)


def _edge_mlp_body(aggp_r, hc_r, attr_r, w1a_r, w1b_r, b1_r, g1_r, t1_r,
                   w2_r, b2_r, o_r):
    aggp = aggp_r[...]
    agg = (aggp[0] + aggp[1]) / (hc_r[...] + 1e-6)
    m = (jnp.dot(attr_r[...], w1a_r[...], preferred_element_type=jnp.float32)
         + jnp.dot(agg, w1b_r[...], preferred_element_type=jnp.float32))
    m = _ln(m + b1_r[...], g1_r[...], t1_r[...])
    m = jnp.maximum(m, 0.0)
    o = jnp.dot(m, w2_r[...], preferred_element_type=jnp.float32) + b2_r[...]
    o_r[...] = jnp.maximum(o, 0.0)


def _edge_mlp(agg_p, hc2, he_attr, w1a, w1b, b1, g1, t1, w2, b2):
    nb = E // RB
    full = lambda i: (0, 0)
    return pl.pallas_call(
        _edge_mlp_body,
        grid=(nb,),
        in_specs=[
            pl.BlockSpec((NC, RB, HID), lambda i: (0, i, 0)),
            pl.BlockSpec((RB, 1), lambda i: (i, 0)),
            pl.BlockSpec((RB, DHA), lambda i: (i, 0)),
            pl.BlockSpec((DHA, HID), full),
            pl.BlockSpec((HID, HID), full),
            pl.BlockSpec((1, HID), full),
            pl.BlockSpec((1, HID), full),
            pl.BlockSpec((1, HID), full),
            pl.BlockSpec((HID, DN), full),
            pl.BlockSpec((1, DN), full),
        ],
        out_specs=pl.BlockSpec((RB, DN), lambda i: (i, 0)),
        out_shape=jax.ShapeDtypeStruct((E, DN), jnp.float32),
    )(agg_p, hc2, he_attr, w1a, w1b, b1, g1, t1, w2, b2)


def _final_body(x_r, outp_r, degp_r, gf_r, bf_r, o_r):
    outp = outp_r[...]
    degp = degp_r[...]
    o = (outp[0] + outp[1]) / (degp[0] + degp[1] + 1e-6)
    o_r[...] = x_r[...] + _ln(o, gf_r[...], bf_r[...])


def _final(x, out_p, deg_p3, gf, bf):
    nb = N // RB
    return pl.pallas_call(
        _final_body,
        grid=(nb,),
        in_specs=[
            pl.BlockSpec((RB, DN), lambda i: (i, 0)),
            pl.BlockSpec((NC, RB, DN), lambda i: (0, i, 0)),
            pl.BlockSpec((NC, RB, 1), lambda i: (0, i, 0)),
            pl.BlockSpec((1, DN), lambda i: (0, 0)),
            pl.BlockSpec((1, DN), lambda i: (0, 0)),
        ],
        out_specs=pl.BlockSpec((RB, DN), lambda i: (i, 0)),
        out_shape=jax.ShapeDtypeStruct((N, DN), jnp.float32),
    )(x, out_p, deg_p3, gf, bf)



def _seg_pipeline(table, dsti_w, srcv, rowsA, rowsB, dA, dB,
                  gsemA, gsemB, dsemA, dsemB, ssem, scatter_chunk):

    def fire(j, rows, dbuf, gsem, dsem):
        jm = lax.rem(j, NCH)
        pltpu.async_copy(table.at[srcv.at[jm]], rows, gsem)
        pltpu.async_copy(dsti_w.at[jm], dbuf, dsem)

    def wait(rows, dbuf, gsem, dsem):
        pltpu.make_async_copy(table.at[pl.ds(0, CH)], rows, gsem).wait()
        pltpu.make_async_copy(dsti_w.at[0], dbuf, dsem).wait()

    fire(0, rowsA, dA, gsemA, dsemA)
    fire(1, rowsB, dB, gsemB, dsemB)

    def body(i, carry):
        j = 2 * i
        wait(rowsA, dA, gsemA, dsemA)
        for d in scatter_chunk(rowsA, dA, ssem):
            d.wait()
        fire(j + 2, rowsA, dA, gsemA, dsemA)
        wait(rowsB, dB, gsemB, dsemB)
        for d in scatter_chunk(rowsB, dB, ssem):
            d.wait()
        fire(j + 3, rowsB, dB, gsemB, dsemB)
        return carry

    lax.fori_loop(0, NCH // 2, body, 0)
    wait(rowsA, dA, gsemA, dsemA)
    wait(rowsB, dB, gsemB, dsemB)


@functools.lru_cache(maxsize=None)
def _build_seg_sum():
    mesh = plsc.VectorSubcoreMesh(core_axis_name="c", subcore_axis_name="s",
                                  num_cores=NC, num_subcores=NS)

    @functools.partial(
        pl.kernel,
        out_type=[jax.ShapeDtypeStruct((NC, ACC_R, HID), jnp.float32)],
        mesh=mesh,
        scratch_types=[
            pltpu.VMEM((NCH, CH), jnp.int32),
            pltpu.VMEM((CH, HID), jnp.float32),
            pltpu.VMEM((CH, HID), jnp.float32),
            pltpu.VMEM((CH,), jnp.int32),
            pltpu.VMEM((CH,), jnp.int32),
            pltpu.SemaphoreType.DMA,
            pltpu.SemaphoreType.DMA,
            pltpu.SemaphoreType.DMA,
            pltpu.SemaphoreType.DMA,
            pltpu.SemaphoreType.DMA,
            pltpu.VMEM_SHARED((ACC_R, HID), jnp.float32),
        ],
    )
    def seg_sum(table, srci, dsti, z2d, out_acc,
                srcv, rowsA, rowsB, dA, dB,
                gsemA, gsemB, dsemA, dsemB, ssem, acc_sh):
        c = lax.axis_index("c")
        s = lax.axis_index("s")
        wid = c * NS + s
        r0 = s * PTR
        pltpu.sync_copy(z2d, acc_sh.at[pl.ds(r0, PTR)])
        pltpu.sync_copy(srci.at[wid], srcv)
        plsc.subcore_barrier()

        def scatter_chunk(rows, dbuf, ssem_):
            return [pltpu.async_copy(rows, acc_sh.at[dbuf], ssem_, add=True)]

        _seg_pipeline(table, dsti.at[wid], srcv, rowsA, rowsB, dA, dB,
                      gsemA, gsemB, dsemA, dsemB, ssem, scatter_chunk)
        plsc.subcore_barrier()
        pltpu.sync_copy(acc_sh.at[pl.ds(r0, PTR)],
                        out_acc.at[c].at[pl.ds(r0, PTR)])

    return seg_sum


@functools.lru_cache(maxsize=None)
def _build_seg_sum_deg():
    mesh = plsc.VectorSubcoreMesh(core_axis_name="c", subcore_axis_name="s",
                                  num_cores=NC, num_subcores=NS)

    @functools.partial(
        pl.kernel,
        out_type=[jax.ShapeDtypeStruct((NC, ACC_R, HID), jnp.float32),
                  jax.ShapeDtypeStruct((NC, ACC_R), jnp.float32)],
        mesh=mesh,
        scratch_types=[
            pltpu.VMEM((NCH, CH), jnp.int32),
            pltpu.VMEM((CH, HID), jnp.float32),
            pltpu.VMEM((CH, HID), jnp.float32),
            pltpu.VMEM((CH,), jnp.int32),
            pltpu.VMEM((CH,), jnp.int32),
            pltpu.SemaphoreType.DMA,
            pltpu.SemaphoreType.DMA,
            pltpu.SemaphoreType.DMA,
            pltpu.SemaphoreType.DMA,
            pltpu.SemaphoreType.DMA,
            pltpu.VMEM_SHARED((ACC_R, HID), jnp.float32),
            pltpu.VMEM_SHARED((ACC_R,), jnp.float32),
            pltpu.VMEM((CH,), jnp.float32),
        ],
    )
    def seg_sum_deg(table, srci, dsti, z2d, z1d, out_acc, out_deg,
                    srcv, rowsA, rowsB, dA, dB,
                    gsemA, gsemB, dsemA, dsemB, ssem,
                    acc_sh, deg_sh, ones_v):
        c = lax.axis_index("c")
        s = lax.axis_index("s")
        wid = c * NS + s
        r0 = s * PTR
        pltpu.sync_copy(z2d, acc_sh.at[pl.ds(r0, PTR)])
        pltpu.sync_copy(z1d, deg_sh.at[pl.ds(r0, PTR)])
        pltpu.sync_copy(srci.at[wid], srcv)
        for i in range(CH // 16):
            ones_v[pl.ds(i * 16, 16)] = jnp.ones((16,), jnp.float32)
        plsc.subcore_barrier()

        def scatter_chunk(rows, dbuf, ssem_):
            d1 = pltpu.async_copy(rows, acc_sh.at[dbuf], ssem_, add=True)
            d2 = pltpu.async_copy(ones_v, deg_sh.at[dbuf], ssem_, add=True)
            return [d1, d2]

        _seg_pipeline(table, dsti.at[wid], srcv, rowsA, rowsB, dA, dB,
                      gsemA, gsemB, dsemA, dsemB, ssem, scatter_chunk)
        plsc.subcore_barrier()
        pltpu.sync_copy(acc_sh.at[pl.ds(r0, PTR)],
                        out_acc.at[c].at[pl.ds(r0, PTR)])
        pltpu.sync_copy(deg_sh.at[pl.ds(r0, PTR)],
                        out_deg.at[c].at[pl.ds(r0, PTR)])

    return seg_sum_deg



def kernel(x, he_index, he_attr, he_count, W1n, b1n, g1n, t1n, W2n, b2n,
           W1e, b1e, g1e, t1e, W2e, b2e, gf, bf):
    node_ids = he_index[0]
    he_ids = he_index[1]
    pad = MPAD - M
    pz = jnp.zeros((pad,), jnp.int32)
    pj = jnp.full((pad,), JUNK, jnp.int32)
    src1 = jnp.concatenate([node_ids, pz]).reshape(NW, NCH, CH)
    dst1 = jnp.concatenate([he_ids, pj]).reshape(NW, NCH, CH)
    src2 = jnp.concatenate([he_ids, pz]).reshape(NW, NCH, CH)
    dst2 = jnp.concatenate([node_ids, pj]).reshape(NW, NCH, CH)
    z2d = jnp.zeros((PTR, HID), jnp.float32)
    z1d = jnp.zeros((PTR,), jnp.float32)

    row = lambda v: v.reshape(1, -1)

    msg_n = _node_mlp(x, W1n, row(b1n), row(g1n), row(t1n), W2n, row(b2n))
    (agg_p,) = _build_seg_sum()(msg_n, src1, dst1, z2d)
    msg_e = _edge_mlp(agg_p, he_count.reshape(E, 1), he_attr,
                      W1e[:DHA], W1e[DHA:], row(b1e), row(g1e), row(t1e),
                      W2e, row(b2e))
    out_p, deg_p = _build_seg_sum_deg()(msg_e, src2, dst2, z2d, z1d)
    return _final(x, out_p, deg_p.reshape(NC, ACC_R, 1), gf.reshape(1, DN),
                  bf.reshape(1, DN))

# --- scband reference (transcript-rebuilt; emitter-appended) ---
"""Pipeline reference for scband-hypergraph-layer-10677288698626 (READ-ONLY COPY).

The authoritative reference and input builder live on the scoring server;
editing this copy changes nothing except your own understanding.
"""

import jax, jax.numpy as jnp
import numpy as np

N = 10000
E = 10000
M = 320000
DN = 128
DHA = 16
HID = 128


def _ln(x, g, b, eps=1e-5):
    mu = jnp.mean(x, axis=-1, keepdims=True)
    var = jnp.mean((x - mu) ** 2, axis=-1, keepdims=True)
    return (x - mu) / jnp.sqrt(var + eps) * g + b


def setup_inputs(seed: int = 0):
    key = jax.random.key(seed)
    ks = jax.random.split(key, 8)
    x = jax.random.normal(ks[0], (N, DN), dtype=jnp.float32)
    he_index = jax.random.randint(ks[1], (2, M), 0, N, dtype=jnp.int32)
    he_attr = jax.random.normal(ks[2], (E, DHA), dtype=jnp.float32)
    he_count = jnp.bincount(he_index[1], length=E).astype(jnp.float32)
    s1 = 1.0 / np.sqrt(DN)
    s2 = 1.0 / np.sqrt(HID)
    s3 = 1.0 / np.sqrt(DHA + HID)
    return {
        'x': x,
        'he_index': he_index,
        'he_attr': he_attr,
        'he_count': he_count,
        'W1n': jax.random.uniform(ks[3], (DN, HID), minval=-s1, maxval=s1, dtype=jnp.float32),
        'b1n': jnp.zeros((HID,), jnp.float32),
        'g1n': jnp.ones((HID,), jnp.float32),
        't1n': jnp.zeros((HID,), jnp.float32),
        'W2n': jax.random.uniform(ks[4], (HID, HID), minval=-s2, maxval=s2, dtype=jnp.float32),
        'b2n': jnp.zeros((HID,), jnp.float32),
        'W1e': jax.random.uniform(ks[5], (DHA + HID, HID), minval=-s3, maxval=s3, dtype=jnp.float32),
        'b1e': jnp.zeros((HID,), jnp.float32),
        'g1e': jnp.ones((HID,), jnp.float32),
        't1e': jnp.zeros((HID,), jnp.float32),
        'W2e': jax.random.uniform(ks[6], (HID, DN), minval=-s2, maxval=s2, dtype=jnp.float32),
        'b2e': jnp.zeros((DN,), jnp.float32),
        'gf': jnp.ones((DN,), jnp.float32),
        'bf': jnp.zeros((DN,), jnp.float32),
    }


def reference(x, he_index, he_attr, he_count, W1n, b1n, g1n, t1n, W2n, b2n, W1e, b1e, g1e, t1e, W2e, b2e, gf, bf):
    node_ids = he_index[0]
    he_ids = he_index[1]
    # node -> hyperedge messages: node2edge MLP on gathered node features
    h = jnp.take(x, node_ids, axis=0)
    h = _ln(h @ W1n + b1n, g1n, t1n)
    h = jax.nn.relu(h)
    member_msgs = h @ W2n + b2n
    # aggregate members per hyperedge (scatter-add), mean by he_count
    agg_e = jax.ops.segment_sum(member_msgs, he_ids, num_segments=E)
    agg_e = agg_e / (he_count[:, None] + 1e-6)
    # distribute back: gather edge repr + edge attrs per membership
    per_member_edge = jnp.take(agg_e, he_ids, axis=0)
    per_member_attr = jnp.take(he_attr, he_ids, axis=0)
    inc_in = jnp.concatenate([per_member_attr, per_member_edge], axis=-1)
    m = _ln(inc_in @ W1e + b1e, g1e, t1e)
    m = jax.nn.relu(m)
    inc_msg = jax.nn.relu(m @ W2e + b2e)
    # scatter-add to nodes, normalize by node degree
    out = jax.ops.segment_sum(inc_msg, node_ids, num_segments=N)
    deg = jnp.bincount(node_ids, length=N).astype(jnp.float32)[:, None]
    out = out / (deg + 1e-6)
    out = _ln(out, gf, bf)
    return x + out

if __name__ == "__main__":
    import jax
    _d = setup_inputs()
    print(jax.jit(kernel)(*tuple(_d.values())))

</pallas_src>

<mosaic_0001>
#map = affine_map<(d0, d1) -> (0, 0)>
#map1 = affine_map<(d0, d1) -> (0, 0, 0)>
#map2 = affine_map<(d0, d1) -> (0)>
module attributes {stable_mosaic.version = 14 : i64} {
  func.func @seg_sum_deg(%arg0: i32, %arg1: i32, %arg2: memref<10000x128xf32, #tpu.memory_space<hbm>>, %arg3: memref<32x80x128xi32, #tpu.memory_space<hbm>>, %arg4: memref<32x80x128xi32, #tpu.memory_space<hbm>>, %arg5: memref<640x128xf32, #tpu.memory_space<hbm>>, %arg6: memref<640xf32, #tpu.memory_space<hbm>>, %arg7: memref<2x10240x128xf32, #tpu.memory_space<hbm>>, %arg8: memref<2x10240xf32, #tpu.memory_space<hbm>>, %arg9: memref<80x128xi32, #tpu.memory_space<vmem>>, %arg10: memref<128x128xf32, #tpu.memory_space<vmem>>, %arg11: memref<128x128xf32, #tpu.memory_space<vmem>>, %arg12: memref<128xi32, #tpu.memory_space<vmem>>, %arg13: memref<128xi32, #tpu.memory_space<vmem>>, %arg14: memref<!tpu.dma_semaphore, #tpu.memory_space<semaphore_mem>>, %arg15: memref<!tpu.dma_semaphore, #tpu.memory_space<semaphore_mem>>, %arg16: memref<!tpu.dma_semaphore, #tpu.memory_space<semaphore_mem>>, %arg17: memref<!tpu.dma_semaphore, #tpu.memory_space<semaphore_mem>>, %arg18: memref<!tpu.dma_semaphore, #tpu.memory_space<semaphore_mem>>, %arg19: memref<10240x128xf32, #tpu.memory_space<vmem_shared>>, %arg20: memref<10240xf32, #tpu.memory_space<vmem_shared>>, %arg21: memref<128xf32, #tpu.memory_space<vmem>>) attributes {dimension_semantics = [#tpu.dimension_semantics<core_parallel>, #tpu.dimension_semantics<subcore_parallel>], iteration_bounds = array<i64: 2, 16>, scalar_prefetch = 0 : i64, scratch_operands = 13 : i64, tpu.core_type = #tpu.core_type<sc_vector_subcore>, window_params = [{transform_indices = #map}, {transform_indices = #map1}, {transform_indices = #map1}, {transform_indices = #map}, {transform_indices = #map2}, {transform_indices = #map1}, {transform_indices = #map}]} {
    %mul3A = arith.constant 16 : i32
    %mul3A_0 = arith.muli %arg0, %mul3A : i32
    %add3A = arith.addi %mul3A_0, %arg1 : i32
    %mul3A_1 = arith.constant 640 : i32
    %mul3A_2 = arith.muli %arg1, %mul3A_1 : i32
    "tpu.region"() ({
      %run_scoped3A = tpu.sem_alloc : memref<!tpu.dma_semaphore, #tpu.memory_space<semaphore_mem>>
      %dma_start3A_140 = arith.constant 0 : i32
      %dma_start3A_141 = tpu.memref_slice %arg19[%mul3A_2, %dma_start3A_140] : memref<10240x128xf32, #tpu.memory_space<vmem_shared>> -> memref<640x128xf32, #tpu.memory_space<vmem_shared>>
      tpu.enqueue_dma source(%arg5 : memref<640x128xf32, #tpu.memory_space<hbm>>) target(%dma_start3A_141 : memref<640x128xf32, #tpu.memory_space<vmem_shared>>) target_semaphore(%run_scoped3A : memref<!tpu.dma_semaphore, #tpu.memory_space<semaphore_mem>>)
      %dma_wait3A_142 = arith.constant 0 : i32
      %dma_wait3A_143 = tpu.memref_slice %arg19[%mul3A_2, %dma_wait3A_142] : memref<10240x128xf32, #tpu.memory_space<vmem_shared>> -> memref<640x128xf32, #tpu.memory_space<vmem_shared>>
      tpu.wait_dma2 semaphore(%run_scoped3A : memref<!tpu.dma_semaphore, #tpu.memory_space<semaphore_mem>>) src(%arg5 : memref<640x128xf32, #tpu.memory_space<hbm>>) dst(%dma_wait3A_143 : memref<640x128xf32, #tpu.memory_space<vmem_shared>>)
      tpu.yield
    }) : () -> ()
    "tpu.region"() ({
      %run_scoped3A = tpu.sem_alloc : memref<!tpu.dma_semaphore, #tpu.memory_space<semaphore_mem>>
      %dma_start3A_140 = tpu.memref_slice %arg20[%mul3A_2] : memref<10240xf32, #tpu.memory_space<vmem_shared>> -> memref<640xf32, #tpu.memory_space<vmem_shared>>
      tpu.enqueue_dma source(%arg6 : memref<640xf32, #tpu.memory_space<hbm>>) target(%dma_start3A_140 : memref<640xf32, #tpu.memory_space<vmem_shared>>) target_semaphore(%run_scoped3A : memref<!tpu.dma_semaphore, #tpu.memory_space<semaphore_mem>>)
      %dma_wait3A_141 = tpu.memref_slice %arg20[%mul3A_2] : memref<10240xf32, #tpu.memory_space<vmem_shared>> -> memref<640xf32, #tpu.memory_space<vmem_shared>>
      tpu.wait_dma2 semaphore(%run_scoped3A : memref<!tpu.dma_semaphore, #tpu.memory_space<semaphore_mem>>) src(%arg6 : memref<640xf32, #tpu.memory_space<hbm>>) dst(%dma_wait3A_141 : memref<640xf32, #tpu.memory_space<vmem_shared>>)
      tpu.yield
    }) : () -> ()
    "tpu.region"() ({
      %run_scoped3A = tpu.sem_alloc : memref<!tpu.dma_semaphore, #tpu.memory_space<semaphore_mem>>
      %dma_start3A_140 = arith.constant 0 : i32
      %dma_start3A_141 = arith.constant 0 : i32
      %dma_start3A_142 = tpu.memref_slice %arg3[%add3A, %dma_start3A_140, %dma_start3A_141] : memref<32x80x128xi32, #tpu.memory_space<hbm>> -> memref<1x80x128xi32, #tpu.memory_space<hbm>>
      %dma_start3A_143 = tpu.memref_squeeze %dma_start3A_142 : memref<1x80x128xi32, #tpu.memory_space<hbm>> -> memref<80x128xi32, #tpu.memory_space<hbm>>
      %dma_start3A_144 = arith.constant 0 : i32
      %dma_start3A_145 = arith.constant 0 : i32
      %dma_start3A_146 = tpu.memref_slice %arg3[%add3A, %dma_start3A_144, %dma_start3A_145] : memref<32x80x128xi32, #tpu.memory_space<hbm>> -> memref<1x80x128xi32, #tpu.memory_space<hbm>>
      %dma_start3A_147 = tpu.memref_squeeze %dma_start3A_146 : memref<1x80x128xi32, #tpu.memory_space<hbm>> -> memref<80x128xi32, #tpu.memory_space<hbm>>
      tpu.enqueue_dma source(%dma_start3A_147 : memref<80x128xi32, #tpu.memory_space<hbm>>) target(%arg9 : memref<80x128xi32, #tpu.memory_space<vmem>>) target_semaphore(%run_scoped3A : memref<!tpu.dma_semaphore, #tpu.memory_space<semaphore_mem>>)
      %dma_wait3A_148 = arith.constant 0 : i32
      %dma_wait3A_149 = arith.constant 0 : i32
      %dma_wait3A_150 = tpu.memref_slice %arg3[%add3A, %dma_wait3A_148, %dma_wait3A_149] : memref<32x80x128xi32, #tpu.memory_space<hbm>> -> memref<1x80x128xi32, #tpu.memory_space<hbm>>
      %dma_wait3A_151 = tpu.memref_squeeze %dma_wait3A_150 : memref<1x80x128xi32, #tpu.memory_space<hbm>> -> memref<80x128xi32, #tpu.memory_space<hbm>>
      %dma_wait3A_152 = arith.constant 0 : i32
      %dma_wait3A_153 = arith.constant 0 : i32
      %dma_wait3A_154 = tpu.memref_slice %arg3[%add3A, %dma_wait3A_152, %dma_wait3A_153] : memref<32x80x128xi32, #tpu.memory_space<hbm>> -> memref<1x80x128xi32, #tpu.memory_space<hbm>>
      %dma_wait3A_155 = tpu.memref_squeeze %dma_wait3A_154 : memref<1x80x128xi32, #tpu.memory_space<hbm>> -> memref<80x128xi32, #tpu.memory_space<hbm>>
      tpu.wait_dma2 semaphore(%run_scoped3A : memref<!tpu.dma_semaphore, #tpu.memory_space<semaphore_mem>>) src(%dma_wait3A_155 : memref<80x128xi32, #tpu.memory_space<hbm>>) dst(%arg9 : memref<80x128xi32, #tpu.memory_space<vmem>>)
      tpu.yield
    }) : () -> ()
    %broadcast_in_dim3A = arith.constant 1.000000e+00 : f32
    %broadcast_in_dim3A_3 = vector.broadcast %broadcast_in_dim3A : f32 to vector<16xf32>
    %swap3A = arith.constant 0 : index
    %swap3A_4 = tpu.vector_load %arg21[%swap3A] {strides = array<i32>} : memref<128xf32, #tpu.memory_space<vmem>>, vector<16xf32>,
    %swap3A_5 = vector.shape_cast %swap3A_4 : vector<16xf32> to vector<16xf32>
    %swap3A_6 = vector.shape_cast %broadcast_in_dim3A_3 : vector<16xf32> to vector<16xf32>
    tpu.vector_store %arg21[%swap3A], %swap3A_6 {strides = array<i32>} : memref<128xf32, #tpu.memory_space<vmem>>, vector<16xf32>,
    %broadcast_in_dim3A_7 = arith.constant 1.000000e+00 : f32
    %broadcast_in_dim3A_8 = vector.broadcast %broadcast_in_dim3A_7 : f32 to vector<16xf32>
    %swap3A_9 = arith.constant 16 : index
    %swap3A_10 = tpu.vector_load %arg21[%swap3A_9] {strides = array<i32>} : memref<128xf32, #tpu.memory_space<vmem>>, vector<16xf32>,
    %swap3A_11 = vector.shape_cast %swap3A_10 : vector<16xf32> to vector<16xf32>
    %swap3A_12 = vector.shape_cast %broadcast_in_dim3A_8 : vector<16xf32> to vector<16xf32>
    tpu.vector_store %arg21[%swap3A_9], %swap3A_12 {strides = array<i32>} : memref<128xf32, #tpu.memory_space<vmem>>, vector<16xf32>,
    %broadcast_in_dim3A_13 = arith.constant 1.000000e+00 : f32
    %broadcast_in_dim3A_14 = vector.broadcast %broadcast_in_dim3A_13 : f32 to vector<16xf32>
    %swap3A_15 = arith.constant 32 : index
    %swap3A_16 = tpu.vector_load %arg21[%swap3A_15] {strides = array<i32>} : memref<128xf32, #tpu.memory_space<vmem>>, vector<16xf32>,
    %swap3A_17 = vector.shape_cast %swap3A_16 : vector<16xf32> to vector<16xf32>
    %swap3A_18 = vector.shape_cast %broadcast_in_dim3A_14 : vector<16xf32> to vector<16xf32>
    tpu.vector_store %arg21[%swap3A_15], %swap3A_18 {strides = array<i32>} : memref<128xf32, #tpu.memory_space<vmem>>, vector<16xf32>,
    %broadcast_in_dim3A_19 = arith.constant 1.000000e+00 : f32
    %broadcast_in_dim3A_20 = vector.broadcast %broadcast_in_dim3A_19 : f32 to vector<16xf32>
    %swap3A_21 = arith.constant 48 : index
    %swap3A_22 = tpu.vector_load %arg21[%swap3A_21] {strides = array<i32>} : memref<128xf32, #tpu.memory_space<vmem>>, vector<16xf32>,
    %swap3A_23 = vector.shape_cast %swap3A_22 : vector<16xf32> to vector<16xf32>
    %swap3A_24 = vector.shape_cast %broadcast_in_dim3A_20 : vector<16xf32> to vector<16xf32>
    tpu.vector_store %arg21[%swap3A_21], %swap3A_24 {strides = array<i32>} : memref<128xf32, #tpu.memory_space<vmem>>, vector<16xf32>,
    %broadcast_in_dim3A_25 = arith.constant 1.000000e+00 : f32
    %broadcast_in_dim3A_26 = vector.broadcast %broadcast_in_dim3A_25 : f32 to vector<16xf32>
    %swap3A_27 = arith.constant 64 : index
    %swap3A_28 = tpu.vector_load %arg21[%swap3A_27] {strides = array<i32>} : memref<128xf32, #tpu.memory_space<vmem>>, vector<16xf32>,
    %swap3A_29 = vector.shape_cast %swap3A_28 : vector<16xf32> to vector<16xf32>
    %swap3A_30 = vector.shape_cast %broadcast_in_dim3A_26 : vector<16xf32> to vector<16xf32>
    tpu.vector_store %arg21[%swap3A_27], %swap3A_30 {strides = array<i32>} : memref<128xf32, #tpu.memory_space<vmem>>, vector<16xf32>,
    %broadcast_in_dim3A_31 = arith.constant 1.000000e+00 : f32
    %broadcast_in_dim3A_32 = vector.broadcast %broadcast_in_dim3A_31 : f32 to vector<16xf32>
    %swap3A_33 = arith.constant 80 : index
    %swap3A_34 = tpu.vector_load %arg21[%swap3A_33] {strides = array<i32>} : memref<128xf32, #tpu.memory_space<vmem>>, vector<16xf32>,
    %swap3A_35 = vector.shape_cast %swap3A_34 : vector<16xf32> to vector<16xf32>
    %swap3A_36 = vector.shape_cast %broadcast_in_dim3A_32 : vector<16xf32> to vector<16xf32>
    tpu.vector_store %arg21[%swap3A_33], %swap3A_36 {strides = array<i32>} : memref<128xf32, #tpu.memory_space<vmem>>, vector<16xf32>,
    %broadcast_in_dim3A_37 = arith.constant 1.000000e+00 : f32
    %broadcast_in_dim3A_38 = vector.broadcast %broadcast_in_dim3A_37 : f32 to vector<16xf32>
    %swap3A_39 = arith.constant 96 : index
    %swap3A_40 = tpu.vector_load %arg21[%swap3A_39] {strides = array<i32>} : memref<128xf32, #tpu.memory_space<vmem>>, vector<16xf32>,
    %swap3A_41 = vector.shape_cast %swap3A_40 : vector<16xf32> to vector<16xf32>
    %swap3A_42 = vector.shape_cast %broadcast_in_dim3A_38 : vector<16xf32> to vector<16xf32>
    tpu.vector_store %arg21[%swap3A_39], %swap3A_42 {strides = array<i32>} : memref<128xf32, #tpu.memory_space<vmem>>, vector<16xf32>,
    %broadcast_in_dim3A_43 = arith.constant 1.000000e+00 : f32
    %broadcast_in_dim3A_44 = vector.broadcast %broadcast_in_dim3A_43 : f32 to vector<16xf32>
    %swap3A_45 = arith.constant 112 : index
    %swap3A_46 = tpu.vector_load %arg21[%swap3A_45] {strides = array<i32>} : memref<128xf32, #tpu.memory_space<vmem>>, vector<16xf32>,
    %swap3A_47 = vector.shape_cast %swap3A_46 : vector<16xf32> to vector<16xf32>
    %swap3A_48 = vector.shape_cast %broadcast_in_dim3A_44 : vector<16xf32> to vector<16xf32>
    tpu.vector_store %arg21[%swap3A_45], %swap3A_48 {strides = array<i32>} : memref<128xf32, #tpu.memory_space<vmem>>, vector<16xf32>,
    %barrier3A = arith.constant 0 : index
    tpu.barrier barrier_id(%barrier3A)
    %rem3A = arith.constant 0 : i32
    %rem3A_49 = arith.constant 80 : i32
    %rem3A_50 = arith.remsi %rem3A, %rem3A_49 : i32
    %dma_start3A = arith.constant 0 : i32
    %dma_start3A_51 = tpu.memref_slice %arg9[%rem3A_50, %dma_start3A] : memref<80x128xi32, #tpu.memory_space<vmem>> -> memref<1x128xi32, #tpu.memory_space<vmem>>
    %dma_start3A_52 = tpu.memref_squeeze %dma_start3A_51 : memref<1x128xi32, #tpu.memory_space<vmem>> -> memref<128xi32, #tpu.memory_space<vmem>>
    %dma_start3A_53 = arith.constant 0 : i32
    %dma_start3A_54 = arith.constant 0 : i32
    %dma_start3A_55 = tpu.memref_slice %arg2[%dma_start3A_53, %dma_start3A_54] : memref<10000x128xf32, #tpu.memory_space<hbm>> -> memref<10000x128xf32, #tpu.memory_space<hbm>>
    tpu.enqueue_indirect_dma source(%dma_start3A_55 : memref<10000x128xf32, #tpu.memory_space<hbm>>) target(%arg10 : memref<128x128xf32, #tpu.memory_space<vmem>>) offsets(%dma_start3A_52 : memref<128xi32, #tpu.memory_space<vmem>>) semaphore(%arg14 : memref<!tpu.dma_semaphore, #tpu.memory_space<semaphore_mem>>)
    %dma_start3A_56 = arith.constant 0 : i32
    %dma_start3A_57 = arith.constant 0 : i32
    %dma_start3A_58 = tpu.memref_slice %arg4[%add3A, %dma_start3A_56, %dma_start3A_57] : memref<32x80x128xi32, #tpu.memory_space<hbm>> -> memref<1x80x128xi32, #tpu.memory_space<hbm>>
    %dma_start3A_59 = tpu.memref_squeeze %dma_start3A_58 : memref<1x80x128xi32, #tpu.memory_space<hbm>> -> memref<80x128xi32, #tpu.memory_space<hbm>>
    %dma_start3A_60 = arith.constant 0 : i32
    %dma_start3A_61 = tpu.memref_slice %dma_start3A_59[%rem3A_50, %dma_start3A_60] : memref<80x128xi32, #tpu.memory_space<hbm>> -> memref<1x128xi32, #tpu.memory_space<hbm>>
    %dma_start3A_62 = tpu.memref_squeeze %dma_start3A_61 : memref<1x128xi32, #tpu.memory_space<hbm>> -> memref<128xi32, #tpu.memory_space<hbm>>
    %dma_start3A_63 = arith.constant 0 : i32
    %dma_start3A_64 = arith.constant 0 : i32
    %dma_start3A_65 = tpu.memref_slice %arg4[%add3A, %dma_start3A_63, %dma_start3A_64] : memref<32x80x128xi32, #tpu.memory_space<hbm>> -> memref<1x80x128xi32, #tpu.memory_space<hbm>>
    %dma_start3A_66 = tpu.memref_squeeze %dma_start3A_65 : memref<1x80x128xi32, #tpu.memory_space<hbm>> -> memref<80x128xi32, #tpu.memory_space<hbm>>
    %dma_start3A_67 = arith.constant 0 : i32
    %dma_start3A_68 = tpu.memref_slice %dma_start3A_66[%rem3A_50, %dma_start3A_67] : memref<80x128xi32, #tpu.memory_space<hbm>> -> memref<1x128xi32, #tpu.memory_space<hbm>>
    %dma_start3A_69 = tpu.memref_squeeze %dma_start3A_68 : memref<1x128xi32, #tpu.memory_space<hbm>> -> memref<128xi32, #tpu.memory_space<hbm>>
    tpu.enqueue_dma source(%dma_start3A_69 : memref<128xi32, #tpu.memory_space<hbm>>) target(%arg12 : memref<128xi32, #tpu.memory_space<vmem>>) target_semaphore(%arg16 : memref<!tpu.dma_semaphore, #tpu.memory_space<semaphore_mem>>)
    %rem3A_70 = arith.constant 1 : i32
    %rem3A_71 = arith.constant 80 : i32
    %rem3A_72 = arith.remsi %rem3A_70, %rem3A_71 : i32
    %dma_start3A_73 = arith.constant 0 : i32
    %dma_start3A_74 = tpu.memref_slice %arg9[%rem3A_72, %dma_start3A_73] : memref<80x128xi32, #tpu.memory_space<vmem>> -> memref<1x128xi32, #tpu.memory_space<vmem>>
    %dma_start3A_75 = tpu.memref_squeeze %dma_start3A_74 : memref<1x128xi32, #tpu.memory_space<vmem>> -> memref<128xi32, #tpu.memory_space<vmem>>
    %dma_start3A_76 = arith.constant 0 : i32
    %dma_start3A_77 = arith.constant 0 : i32
    %dma_start3A_78 = tpu.memref_slice %arg2[%dma_start3A_76, %dma_start3A_77] : memref<10000x128xf32, #tpu.memory_space<hbm>> -> memref<10000x128xf32, #tpu.memory_space<hbm>>
    tpu.enqueue_indirect_dma source(%dma_start3A_78 : memref<10000x128xf32, #tpu.memory_space<hbm>>) target(%arg11 : memref<128x128xf32, #tpu.memory_space<vmem>>) offsets(%dma_start3A_75 : memref<128xi32, #tpu.memory_space<vmem>>) semaphore(%arg15 : memref<!tpu.dma_semaphore, #tpu.memory_space<semaphore_mem>>)
    %dma_start3A_79 = arith.constant 0 : i32
    %dma_start3A_80 = arith.constant 0 : i32
    %dma_start3A_81 = tpu.memref_slice %arg4[%add3A, %dma_start3A_79, %dma_start3A_80] : memref<32x80x128xi32, #tpu.memory_space<hbm>> -> memref<1x80x128xi32, #tpu.memory_space<hbm>>
    %dma_start3A_82 = tpu.memref_squeeze %dma_start3A_81 : memref<1x80x128xi32, #tpu.memory_space<hbm>> -> memref<80x128xi32, #tpu.memory_space<hbm>>
    %dma_start3A_83 = arith.constant 0 : i32
    %dma_start3A_84 = tpu.memref_slice %dma_start3A_82[%rem3A_72, %dma_start3A_83] : memref<80x128xi32, #tpu.memory_space<hbm>> -> memref<1x128xi32, #tpu.memory_space<hbm>>
    %dma_start3A_85 = tpu.memref_squeeze %dma_start3A_84 : memref<1x128xi32, #tpu.memory_space<hbm>> -> memref<128xi32, #tpu.memory_space<hbm>>
    %dma_start3A_86 = arith.constant 0 : i32
    %dma_start3A_87 = arith.constant 0 : i32
    %dma_start3A_88 = tpu.memref_slice %arg4[%add3A, %dma_start3A_86, %dma_start3A_87] : memref<32x80x128xi32, #tpu.memory_space<hbm>> -> memref<1x80x128xi32, #tpu.memory_space<hbm>>
    %dma_start3A_89 = tpu.memref_squeeze %dma_start3A_88 : memref<1x80x128xi32, #tpu.memory_space<hbm>> -> memref<80x128xi32, #tpu.memory_space<hbm>>
    %dma_start3A_90 = arith.constant 0 : i32
    %dma_start3A_91 = tpu.memref_slice %dma_start3A_89[%rem3A_72, %dma_start3A_90] : memref<80x128xi32, #tpu.memory_space<hbm>> -> memref<1x128xi32, #tpu.memory_space<hbm>>
    %dma_start3A_92 = tpu.memref_squeeze %dma_start3A_91 : memref<1x128xi32, #tpu.memory_space<hbm>> -> memref<128xi32, #tpu.memory_space<hbm>>
    tpu.enqueue_dma source(%dma_start3A_92 : memref<128xi32, #tpu.memory_space<hbm>>) target(%arg13 : memref<128xi32, #tpu.memory_space<vmem>>) target_semaphore(%arg17 : memref<!tpu.dma_semaphore, #tpu.memory_space<semaphore_mem>>)
    %scan3A = arith.constant 0 : i32
    %scan3A_93 = arith.constant 0 : i32
    %scan3A_94 = arith.constant 40 : i32
    %scan3A_95 = arith.addi %scan3A_93, %scan3A_94 : i32
    %scan3A_96 = arith.constant 1 : i32
    scf.for %scan3A_140 = %scan3A_93 to %scan3A_95 step %scan3A_96  : i32 {
      %mul3A_141 = arith.constant 2 : i32
      %mul3A_142 = arith.muli %mul3A_141, %scan3A_140 : i32
      %dma_wait3A_143 = arith.constant 0 : i32
      %dma_wait3A_144 = arith.constant 0 : i32
      %dma_wait3A_145 = tpu.memref_slice %arg2[%dma_wait3A_143, %dma_wait3A_144] : memref<10000x128xf32, #tpu.memory_space<hbm>> -> memref<128x128xf32, #tpu.memory_space<hbm>>
      %dma_wait3A_146 = arith.constant 0 : i32
      %dma_wait3A_147 = arith.constant 0 : i32
      %dma_wait3A_148 = tpu.memref_slice %arg2[%dma_wait3A_146, %dma_wait3A_147] : memref<10000x128xf32, #tpu.memory_space<hbm>> -> memref<128x128xf32, #tpu.memory_space<hbm>>
      tpu.wait_dma2 semaphore(%arg14 : memref<!tpu.dma_semaphore, #tpu.memory_space<semaphore_mem>>) src(%dma_wait3A_148 : memref<128x128xf32, #tpu.memory_space<hbm>>) dst(%arg10 : memref<128x128xf32, #tpu.memory_space<vmem>>)
      %dma_wait3A_149 = arith.constant 0 : i32
      %dma_wait3A_150 = arith.constant 0 : i32
      %dma_wait3A_151 = arith.constant 0 : i32
      %dma_wait3A_152 = tpu.memref_slice %arg4[%add3A, %dma_wait3A_150, %dma_wait3A_151] : memref<32x80x128xi32, #tpu.memory_space<hbm>> -> memref<1x80x128xi32, #tpu.memory_space<hbm>>
      %dma_wait3A_153 = tpu.memref_squeeze %dma_wait3A_152 : memref<1x80x128xi32, #tpu.memory_space<hbm>> -> memref<80x128xi32, #tpu.memory_space<hbm>>
      %dma_wait3A_154 = arith.constant 0 : i32
      %dma_wait3A_155 = tpu.memref_slice %dma_wait3A_153[%dma_wait3A_149, %dma_wait3A_154] : memref<80x128xi32, #tpu.memory_space<hbm>> -> memref<1x128xi32, #tpu.memory_space<hbm>>
      %dma_wait3A_156 = tpu.memref_squeeze %dma_wait3A_155 : memref<1x128xi32, #tpu.memory_space<hbm>> -> memref<128xi32, #tpu.memory_space<hbm>>
      %dma_wait3A_157 = arith.constant 0 : i32
      %dma_wait3A_158 = arith.constant 0 : i32
      %dma_wait3A_159 = tpu.memref_slice %arg4[%add3A, %dma_wait3A_157, %dma_wait3A_158] : memref<32x80x128xi32, #tpu.memory_space<hbm>> -> memref<1x80x128xi32, #tpu.memory_space<hbm>>
      %dma_wait3A_160 = tpu.memref_squeeze %dma_wait3A_159 : memref<1x80x128xi32, #tpu.memory_space<hbm>> -> memref<80x128xi32, #tpu.memory_space<hbm>>
      %dma_wait3A_161 = arith.constant 0 : i32
      %dma_wait3A_162 = tpu.memref_slice %dma_wait3A_160[%dma_wait3A_149, %dma_wait3A_161] : memref<80x128xi32, #tpu.memory_space<hbm>> -> memref<1x128xi32, #tpu.memory_space<hbm>>
      %dma_wait3A_163 = tpu.memref_squeeze %dma_wait3A_162 : memref<1x128xi32, #tpu.memory_space<hbm>> -> memref<128xi32, #tpu.memory_space<hbm>>
      tpu.wait_dma2 semaphore(%arg16 : memref<!tpu.dma_semaphore, #tpu.memory_space<semaphore_mem>>) src(%dma_wait3A_163 : memref<128xi32, #tpu.memory_space<hbm>>) dst(%arg12 : memref<128xi32, #tpu.memory_space<vmem>>)
      %dma_start3A_164 = arith.constant 0 : i32
      %dma_start3A_165 = arith.constant 0 : i32
      %dma_start3A_166 = tpu.memref_slice %arg19[%dma_start3A_164, %dma_start3A_165] : memref<10240x128xf32, #tpu.memory_space<vmem_shared>> -> memref<10240x128xf32, #tpu.memory_space<vmem_shared>>
      tpu.enqueue_indirect_dma source(%arg10 : memref<128x128xf32, #tpu.memory_space<vmem>>) target(%dma_start3A_166 : memref<10240x128xf32, #tpu.memory_space<vmem_shared>>) offsets(%arg12 : memref<128xi32, #tpu.memory_space<vmem>>) semaphore(%arg18 : memref<!tpu.dma_semaphore, #tpu.memory_space<semaphore_mem>>) {add = true}
      %dma_start3A_167 = arith.constant 0 : i32
      %dma_start3A_168 = tpu.memref_slice %arg20[%dma_start3A_167] : memref<10240xf32, #tpu.memory_space<vmem_shared>> -> memref<10240xf32, #tpu.memory_space<vmem_shared>>
      tpu.enqueue_indirect_dma source(%arg21 : memref<128xf32, #tpu.memory_space<vmem>>) target(%dma_start3A_168 : memref<10240xf32, #tpu.memory_space<vmem_shared>>) offsets(%arg12 : memref<128xi32, #tpu.memory_space<vmem>>) semaphore(%arg18 : memref<!tpu.dma_semaphore, #tpu.memory_space<semaphore_mem>>) {add = true}
      %dma_wait3A_169 = arith.constant 0 : i32
      %dma_wait3A_170 = arith.constant 0 : i32
      %dma_wait3A_171 = tpu.memref_slice %arg19[%dma_wait3A_169, %dma_wait3A_170] : memref<10240x128xf32, #tpu.memory_space<vmem_shared>> -> memref<10240x128xf32, #tpu.memory_space<vmem_shared>>
      tpu.wait_indirect_dma semaphore(%arg18 : memref<!tpu.dma_semaphore, #tpu.memory_space<semaphore_mem>>) src(%arg10 : memref<128x128xf32, #tpu.memory_space<vmem>>) dst(%dma_wait3A_171 : memref<10240x128xf32, #tpu.memory_space<vmem_shared>>)
      %dma_wait3A_172 = arith.constant 0 : i32
      %dma_wait3A_173 = tpu.memref_slice %arg20[%dma_wait3A_172] : memref<10240xf32, #tpu.memory_space<vmem_shared>> -> memref<10240xf32, #tpu.memory_space<vmem_shared>>
      tpu.wait_indirect_dma semaphore(%arg18 : memref<!tpu.dma_semaphore, #tpu.memory_space<semaphore_mem>>) src(%arg21 : memref<128xf32, #tpu.memory_space<vmem>>) dst(%dma_wait3A_173 : memref<10240xf32, #tpu.memory_space<vmem_shared>>)
      %add3A_174 = arith.constant 2 : i32
      %add3A_175 = arith.addi %mul3A_142, %add3A_174 : i32
      %rem3A_176 = arith.constant 80 : i32
      %rem3A_177 = arith.remsi %add3A_175, %rem3A_176 : i32
      %dma_start3A_178 = arith.constant 0 : i32
      %dma_start3A_179 = tpu.memref_slice %arg9[%rem3A_177, %dma_start3A_178] : memref<80x128xi32, #tpu.memory_space<vmem>> -> memref<1x128xi32, #tpu.memory_space<vmem>>
      %dma_start3A_180 = tpu.memref_squeeze %dma_start3A_179 : memref<1x128xi32, #tpu.memory_space<vmem>> -> memref<128xi32, #tpu.memory_space<vmem>>
      %dma_start3A_181 = arith.constant 0 : i32
      %dma_start3A_182 = arith.constant 0 : i32
      %dma_start3A_183 = tpu.memref_slice %arg2[%dma_start3A_181, %dma_start3A_182] : memref<10000x128xf32, #tpu.memory_space<hbm>> -> memref<10000x128xf32, #tpu.memory_space<hbm>>
      tpu.enqueue_indirect_dma source(%dma_start3A_183 : memref<10000x128xf32, #tpu.memory_space<hbm>>) target(%arg10 : memref<128x128xf32, #tpu.memory_space<vmem>>) offsets(%dma_start3A_180 : memref<128xi32, #tpu.memory_space<vmem>>) semaphore(%arg14 : memref<!tpu.dma_semaphore, #tpu.memory_space<semaphore_mem>>)
      %dma_start3A_184 = arith.constant 0 : i32
      %dma_start3A_185 = arith.constant 0 : i32
      %dma_start3A_186 = tpu.memref_slice %arg4[%add3A, %dma_start3A_184, %dma_start3A_185] : memref<32x80x128xi32, #tpu.memory_space<hbm>> -> memref<1x80x128xi32, #tpu.memory_space<hbm>>
      %dma_start3A_187 = tpu.memref_squeeze %dma_start3A_186 : memref<1x80x128xi32, #tpu.memory_space<hbm>> -> memref<80x128xi32, #tpu.memory_space<hbm>>
      %dma_start3A_188 = arith.constant 0 : i32
      %dma_start3A_189 = tpu.memref_slice %dma_start3A_187[%rem3A_177, %dma_start3A_188] : memref<80x128xi32, #tpu.memory_space<hbm>> -> memref<1x128xi32, #tpu.memory_space<hbm>>
      %dma_start3A_190 = tpu.memref_squeeze %dma_start3A_189 : memref<1x128xi32, #tpu.memory_space<hbm>> -> memref<128xi32, #tpu.memory_space<hbm>>
      %dma_start3A_191 = arith.constant 0 : i32
      %dma_start3A_192 = arith.constant 0 : i32
      %dma_start3A_193 = tpu.memref_slice %arg4[%add3A, %dma_start3A_191, %dma_start3A_192] : memref<32x80x128xi32, #tpu.memory_space<hbm>> -> memref<1x80x128xi32, #tpu.memory_space<hbm>>
      %dma_start3A_194 = tpu.memref_squeeze %dma_start3A_193 : memref<1x80x128xi32, #tpu.memory_space<hbm>> -> memref<80x128xi32, #tpu.memory_space<hbm>>
      %dma_start3A_195 = arith.constant 0 : i32
      %dma_start3A_196 = tpu.memref_slice %dma_start3A_194[%rem3A_177, %dma_start3A_195] : memref<80x128xi32, #tpu.memory_space<hbm>> -> memref<1x128xi32, #tpu.memory_space<hbm>>
      %dma_start3A_197 = tpu.memref_squeeze %dma_start3A_196 : memref<1x128xi32, #tpu.memory_space<hbm>> -> memref<128xi32, #tpu.memory_space<hbm>>
      tpu.enqueue_dma source(%dma_start3A_197 : memref<128xi32, #tpu.memory_space<hbm>>) target(%arg12 : memref<128xi32, #tpu.memory_space<vmem>>) target_semaphore(%arg16 : memref<!tpu.dma_semaphore, #tpu.memory_space<semaphore_mem>>)
      %dma_wait3A_198 = arith.constant 0 : i32
      %dma_wait3A_199 = arith.constant 0 : i32
      %dma_wait3A_200 = tpu.memref_slice %arg2[%dma_wait3A_198, %dma_wait3A_199] : memref<10000x128xf32, #tpu.memory_space<hbm>> -> memref<128x128xf32, #tpu.memory_space<hbm>>
      %dma_wait3A_201 = arith.constant 0 : i32
      %dma_wait3A_202 = arith.constant 0 : i32
      %dma_wait3A_203 = tpu.memref_slice %arg2[%dma_wait3A_201, %dma_wait3A_202] : memref<10000x128xf32, #tpu.memory_space<hbm>> -> memref<128x128xf32, #tpu.memory_space<hbm>>
      tpu.wait_dma2 semaphore(%arg15 : memref<!tpu.dma_semaphore, #tpu.memory_space<semaphore_mem>>) src(%dma_wait3A_203 : memref<128x128xf32, #tpu.memory_space<hbm>>) dst(%arg11 : memref<128x128xf32, #tpu.memory_space<vmem>>)
      %dma_wait3A_204 = arith.constant 0 : i32
      %dma_wait3A_205 = arith.constant 0 : i32
      %dma_wait3A_206 = arith.constant 0 : i32
      %dma_wait3A_207 = tpu.memref_slice %arg4[%add3A, %dma_wait3A_205, %dma_wait3A_206] : memref<32x80x128xi32, #tpu.memory_space<hbm>> -> memref<1x80x128xi32, #tpu.memory_space<hbm>>
      %dma_wait3A_208 = tpu.memref_squeeze %dma_wait3A_207 : memref<1x80x128xi32, #tpu.memory_space<hbm>> -> memref<80x128xi32, #tpu.memory_space<hbm>>
      %dma_wait3A_209 = arith.constant 0 : i32
      %dma_wait3A_210 = tpu.memref_slice %dma_wait3A_208[%dma_wait3A_204, %dma_wait3A_209] : memref<80x128xi32, #tpu.memory_space<hbm>> -> memref<1x128xi32, #tpu.memory_space<hbm>>
      %dma_wait3A_211 = tpu.memref_squeeze %dma_wait3A_210 : memref<1x128xi32, #tpu.memory_space<hbm>> -> memref<128xi32, #tpu.memory_space<hbm>>
      %dma_wait3A_212 = arith.constant 0 : i32
      %dma_wait3A_213 = arith.constant 0 : i32
      %dma_wait3A_214 = tpu.memref_slice %arg4[%add3A, %dma_wait3A_212, %dma_wait3A_213] : memref<32x80x128xi32, #tpu.memory_space<hbm>> -> memref<1x80x128xi32, #tpu.memory_space<hbm>>
      %dma_wait3A_215 = tpu.memref_squeeze %dma_wait3A_214 : memref<1x80x128xi32, #tpu.memory_space<hbm>> -> memref<80x128xi32, #tpu.memory_space<hbm>>
      %dma_wait3A_216 = arith.constant 0 : i32
      %dma_wait3A_217 = tpu.memref_slice %dma_wait3A_215[%dma_wait3A_204, %dma_wait3A_216] : memref<80x128xi32, #tpu.memory_space<hbm>> -> memref<1x128xi32, #tpu.memory_space<hbm>>
      %dma_wait3A_218 = tpu.memref_squeeze %dma_wait3A_217 : memref<1x128xi32, #tpu.memory_space<hbm>> -> memref<128xi32, #tpu.memory_space<hbm>>
      tpu.wait_dma2 semaphore(%arg17 : memref<!tpu.dma_semaphore, #tpu.memory_space<semaphore_mem>>) src(%dma_wait3A_218 : memref<128xi32, #tpu.memory_space<hbm>>) dst(%arg13 : memref<128xi32, #tpu.memory_space<vmem>>)
      %dma_start3A_219 = arith.constant 0 : i32
      %dma_start3A_220 = arith.constant 0 : i32
      %dma_start3A_221 = tpu.memref_slice %arg19[%dma_start3A_219, %dma_start3A_220] : memref<10240x128xf32, #tpu.memory_space<vmem_shared>> -> memref<10240x128xf32, #tpu.memory_space<vmem_shared>>
      tpu.enqueue_indirect_dma source(%arg11 : memref<128x128xf32, #tpu.memory_space<vmem>>) target(%dma_start3A_221 : memref<10240x128xf32, #tpu.memory_space<vmem_shared>>) offsets(%arg13 : memref<128xi32, #tpu.memory_space<vmem>>) semaphore(%arg18 : memref<!tpu.dma_semaphore, #tpu.memory_space<semaphore_mem>>) {add = true}
      %dma_start3A_222 = arith.constant 0 : i32
      %dma_start3A_223 = tpu.memref_slice %arg20[%dma_start3A_222] : memref<10240xf32, #tpu.memory_space<vmem_shared>> -> memref<10240xf32, #tpu.memory_space<vmem_shared>>
      tpu.enqueue_indirect_dma source(%arg21 : memref<128xf32, #tpu.memory_space<vmem>>) target(%dma_start3A_223 : memref<10240xf32, #tpu.memory_space<vmem_shared>>) offsets(%arg13 : memref<128xi32, #tpu.memory_space<vmem>>) semaphore(%arg18 : memref<!tpu.dma_semaphore, #tpu.memory_space<semaphore_mem>>) {add = true}
      %dma_wait3A_224 = arith.constant 0 : i32
      %dma_wait3A_225 = arith.constant 0 : i32
      %dma_wait3A_226 = tpu.memref_slice %arg19[%dma_wait3A_224, %dma_wait3A_225] : memref<10240x128xf32, #tpu.memory_space<vmem_shared>> -> memref<10240x128xf32, #tpu.memory_space<vmem_shared>>
      tpu.wait_indirect_dma semaphore(%arg18 : memref<!tpu.dma_semaphore, #tpu.memory_space<semaphore_mem>>) src(%arg11 : memref<128x128xf32, #tpu.memory_space<vmem>>) dst(%dma_wait3A_226 : memref<10240x128xf32, #tpu.memory_space<vmem_shared>>)
      %dma_wait3A_227 = arith.constant 0 : i32
      %dma_wait3A_228 = tpu.memref_slice %arg20[%dma_wait3A_227] : memref<10240xf32, #tpu.memory_space<vmem_shared>> -> memref<10240xf32, #tpu.memory_space<vmem_shared>>
      tpu.wait_indirect_dma semaphore(%arg18 : memref<!tpu.dma_semaphore, #tpu.memory_space<semaphore_mem>>) src(%arg21 : memref<128xf32, #tpu.memory_space<vmem>>) dst(%dma_wait3A_228 : memref<10240xf32, #tpu.memory_space<vmem_shared>>)
      %add3A_229 = arith.constant 3 : i32
      %add3A_230 = arith.addi %mul3A_142, %add3A_229 : i32
      %rem3A_231 = arith.constant 80 : i32
      %rem3A_232 = arith.remsi %add3A_230, %rem3A_231 : i32
      %dma_start3A_233 = arith.constant 0 : i32
      %dma_start3A_234 = tpu.memref_slice %arg9[%rem3A_232, %dma_start3A_233] : memref<80x128xi32, #tpu.memory_space<vmem>> -> memref<1x128xi32, #tpu.memory_space<vmem>>
      %dma_start3A_235 = tpu.memref_squeeze %dma_start3A_234 : memref<1x128xi32, #tpu.memory_space<vmem>> -> memref<128xi32, #tpu.memory_space<vmem>>
      %dma_start3A_236 = arith.constant 0 : i32
      %dma_start3A_237 = arith.constant 0 : i32
      %dma_start3A_238 = tpu.memref_slice %arg2[%dma_start3A_236, %dma_start3A_237] : memref<10000x128xf32, #tpu.memory_space<hbm>> -> memref<10000x128xf32, #tpu.memory_space<hbm>>
      tpu.enqueue_indirect_dma source(%dma_start3A_238 : memref<10000x128xf32, #tpu.memory_space<hbm>>) target(%arg11 : memref<128x128xf32, #tpu.memory_space<vmem>>) offsets(%dma_start3A_235 : memref<128xi32, #tpu.memory_space<vmem>>) semaphore(%arg15 : memref<!tpu.dma_semaphore, #tpu.memory_space<semaphore_mem>>)
      %dma_start3A_239 = arith.constant 0 : i32
      %dma_start3A_240 = arith.constant 0 : i32
      %dma_start3A_241 = tpu.memref_slice %arg4[%add3A, %dma_start3A_239, %dma_start3A_240] : memref<32x80x128xi32, #tpu.memory_space<hbm>> -> memref<1x80x128xi32, #tpu.memory_space<hbm>>
      %dma_start3A_242 = tpu.memref_squeeze %dma_start3A_241 : memref<1x80x128xi32, #tpu.memory_space<hbm>> -> memref<80x128xi32, #tpu.memory_space<hbm>>
      %dma_start3A_243 = arith.constant 0 : i32
      %dma_start3A_244 = tpu.memref_slice %dma_start3A_242[%rem3A_232, %dma_start3A_243] : memref<80x128xi32, #tpu.memory_space<hbm>> -> memref<1x128xi32, #tpu.memory_space<hbm>>
      %dma_start3A_245 = tpu.memref_squeeze %dma_start3A_244 : memref<1x128xi32, #tpu.memory_space<hbm>> -> memref<128xi32, #tpu.memory_space<hbm>>
      %dma_start3A_246 = arith.constant 0 : i32
      %dma_start3A_247 = arith.constant 0 : i32
      %dma_start3A_248 = tpu.memref_slice %arg4[%add3A, %dma_start3A_246, %dma_start3A_247] : memref<32x80x128xi32, #tpu.memory_space<hbm>> -> memref<1x80x128xi32, #tpu.memory_space<hbm>>
      %dma_start3A_249 = tpu.memref_squeeze %dma_start3A_248 : memref<1x80x128xi32, #tpu.memory_space<hbm>> -> memref<80x128xi32, #tpu.memory_space<hbm>>
      %dma_start3A_250 = arith.constant 0 : i32
      %dma_start3A_251 = tpu.memref_slice %dma_start3A_249[%rem3A_232, %dma_start3A_250] : memref<80x128xi32, #tpu.memory_space<hbm>> -> memref<1x128xi32, #tpu.memory_space<hbm>>
      %dma_start3A_252 = tpu.memref_squeeze %dma_start3A_251 : memref<1x128xi32, #tpu.memory_space<hbm>> -> memref<128xi32, #tpu.memory_space<hbm>>
      tpu.enqueue_dma source(%dma_start3A_252 : memref<128xi32, #tpu.memory_space<hbm>>) target(%arg13 : memref<128xi32, #tpu.memory_space<vmem>>) target_semaphore(%arg17 : memref<!tpu.dma_semaphore, #tpu.memory_space<semaphore_mem>>)
    }
    %scan3A_97 = arith.constant 40 : i32
    %dma_wait3A = arith.constant 0 : i32
    %dma_wait3A_98 = arith.constant 0 : i32
    %dma_wait3A_99 = tpu.memref_slice %arg2[%dma_wait3A, %dma_wait3A_98] : memref<10000x128xf32, #tpu.memory_space<hbm>> -> memref<128x128xf32, #tpu.memory_space<hbm>>
    %dma_wait3A_100 = arith.constant 0 : i32
    %dma_wait3A_101 = arith.constant 0 : i32
    %dma_wait3A_102 = tpu.memref_slice %arg2[%dma_wait3A_100, %dma_wait3A_101] : memref<10000x128xf32, #tpu.memory_space<hbm>> -> memref<128x128xf32, #tpu.memory_space<hbm>>
    tpu.wait_dma2 semaphore(%arg14 : memref<!tpu.dma_semaphore, #tpu.memory_space<semaphore_mem>>) src(%dma_wait3A_102 : memref<128x128xf32, #tpu.memory_space<hbm>>) dst(%arg10 : memref<128x128xf32, #tpu.memory_space<vmem>>)
    %dma_wait3A_103 = arith.constant 0 : i32
    %dma_wait3A_104 = arith.constant 0 : i32
    %dma_wait3A_105 = arith.constant 0 : i32
    %dma_wait3A_106 = tpu.memref_slice %arg4[%add3A, %dma_wait3A_104, %dma_wait3A_105] : memref<32x80x128xi32, #tpu.memory_space<hbm>> -> memref<1x80x128xi32, #tpu.memory_space<hbm>>
    %dma_wait3A_107 = tpu.memref_squeeze %dma_wait3A_106 : memref<1x80x128xi32, #tpu.memory_space<hbm>> -> memref<80x128xi32, #tpu.memory_space<hbm>>
    %dma_wait3A_108 = arith.constant 0 : i32
    %dma_wait3A_109 = tpu.memref_slice %dma_wait3A_107[%dma_wait3A_103, %dma_wait3A_108] : memref<80x128xi32, #tpu.memory_space<hbm>> -> memref<1x128xi32, #tpu.memory_space<hbm>>
    %dma_wait3A_110 = tpu.memref_squeeze %dma_wait3A_109 : memref<1x128xi32, #tpu.memory_space<hbm>> -> memref<128xi32, #tpu.memory_space<hbm>>
    %dma_wait3A_111 = arith.constant 0 : i32
    %dma_wait3A_112 = arith.constant 0 : i32
    %dma_wait3A_113 = tpu.memref_slice %arg4[%add3A, %dma_wait3A_111, %dma_wait3A_112] : memref<32x80x128xi32, #tpu.memory_space<hbm>> -> memref<1x80x128xi32, #tpu.memory_space<hbm>>
    %dma_wait3A_114 = tpu.memref_squeeze %dma_wait3A_113 : memref<1x80x128xi32, #tpu.memory_space<hbm>> -> memref<80x128xi32, #tpu.memory_space<hbm>>
    %dma_wait3A_115 = arith.constant 0 : i32
    %dma_wait3A_116 = tpu.memref_slice %dma_wait3A_114[%dma_wait3A_103, %dma_wait3A_115] : memref<80x128xi32, #tpu.memory_space<hbm>> -> memref<1x128xi32, #tpu.memory_space<hbm>>
    %dma_wait3A_117 = tpu.memref_squeeze %dma_wait3A_116 : memref<1x128xi32, #tpu.memory_space<hbm>> -> memref<128xi32, #tpu.memory_space<hbm>>
    tpu.wait_dma2 semaphore(%arg16 : memref<!tpu.dma_semaphore, #tpu.memory_space<semaphore_mem>>) src(%dma_wait3A_117 : memref<128xi32, #tpu.memory_space<hbm>>) dst(%arg12 : memref<128xi32, #tpu.memory_space<vmem>>)
    %dma_wait3A_118 = arith.constant 0 : i32
    %dma_wait3A_119 = arith.constant 0 : i32
    %dma_wait3A_120 = tpu.memref_slice %arg2[%dma_wait3A_118, %dma_wait3A_119] : memref<10000x128xf32, #tpu.memory_space<hbm>> -> memref<128x128xf32, #tpu.memory_space<hbm>>
    %dma_wait3A_121 = arith.constant 0 : i32
    %dma_wait3A_122 = arith.constant 0 : i32
    %dma_wait3A_123 = tpu.memref_slice %arg2[%dma_wait3A_121, %dma_wait3A_122] : memref<10000x128xf32, #tpu.memory_space<hbm>> -> memref<128x128xf32, #tpu.memory_space<hbm>>
    tpu.wait_dma2 semaphore(%arg15 : memref<!tpu.dma_semaphore, #tpu.memory_space<semaphore_mem>>) src(%dma_wait3A_123 : memref<128x128xf32, #tpu.memory_space<hbm>>) dst(%arg11 : memref<128x128xf32, #tpu.memory_space<vmem>>)
    %dma_wait3A_124 = arith.constant 0 : i32
    %dma_wait3A_125 = arith.constant 0 : i32
    %dma_wait3A_126 = arith.constant 0 : i32
    %dma_wait3A_127 = tpu.memref_slice %arg4[%add3A, %dma_wait3A_125, %dma_wait3A_126] : memref<32x80x128xi32, #tpu.memory_space<hbm>> -> memref<1x80x128xi32, #tpu.memory_space<hbm>>
    %dma_wait3A_128 = tpu.memref_squeeze %dma_wait3A_127 : memref<1x80x128xi32, #tpu.memory_space<hbm>> -> memref<80x128xi32, #tpu.memory_space<hbm>>
    %dma_wait3A_129 = arith.constant 0 : i32
    %dma_wait3A_130 = tpu.memref_slice %dma_wait3A_128[%dma_wait3A_124, %dma_wait3A_129] : memref<80x128xi32, #tpu.memory_space<hbm>> -> memref<1x128xi32, #tpu.memory_space<hbm>>
    %dma_wait3A_131 = tpu.memref_squeeze %dma_wait3A_130 : memref<1x128xi32, #tpu.memory_space<hbm>> -> memref<128xi32, #tpu.memory_space<hbm>>
    %dma_wait3A_132 = arith.constant 0 : i32
    %dma_wait3A_133 = arith.constant 0 : i32
    %dma_wait3A_134 = tpu.memref_slice %arg4[%add3A, %dma_wait3A_132, %dma_wait3A_133] : memref<32x80x128xi32, #tpu.memory_space<hbm>> -> memref<1x80x128xi32, #tpu.memory_space<hbm>>
    %dma_wait3A_135 = tpu.memref_squeeze %dma_wait3A_134 : memref<1x80x128xi32, #tpu.memory_space<hbm>> -> memref<80x128xi32, #tpu.memory_space<hbm>>
    %dma_wait3A_136 = arith.constant 0 : i32
    %dma_wait3A_137 = tpu.memref_slice %dma_wait3A_135[%dma_wait3A_124, %dma_wait3A_136] : memref<80x128xi32, #tpu.memory_space<hbm>> -> memref<1x128xi32, #tpu.memory_space<hbm>>
    %dma_wait3A_138 = tpu.memref_squeeze %dma_wait3A_137 : memref<1x128xi32, #tpu.memory_space<hbm>> -> memref<128xi32, #tpu.memory_space<hbm>>
    tpu.wait_dma2 semaphore(%arg17 : memref<!tpu.dma_semaphore, #tpu.memory_space<semaphore_mem>>) src(%dma_wait3A_138 : memref<128xi32, #tpu.memory_space<hbm>>) dst(%arg13 : memref<128xi32, #tpu.memory_space<vmem>>)
    %barrier3A_139 = arith.constant 0 : index
    tpu.barrier barrier_id(%barrier3A_139)
    "tpu.region"() ({
      %run_scoped3A = tpu.sem_alloc : memref<!tpu.dma_semaphore, #tpu.memory_space<semaphore_mem>>
      %dma_start3A_140 = arith.constant 0 : i32
      %dma_start3A_141 = arith.constant 0 : i32
      %dma_start3A_142 = tpu.memref_slice %arg7[%arg0, %dma_start3A_140, %dma_start3A_141] : memref<2x10240x128xf32, #tpu.memory_space<hbm>> -> memref<1x10240x128xf32, #tpu.memory_space<hbm>>
      %dma_start3A_143 = tpu.memref_squeeze %dma_start3A_142 : memref<1x10240x128xf32, #tpu.memory_space<hbm>> -> memref<10240x128xf32, #tpu.memory_space<hbm>>
      %dma_start3A_144 = arith.constant 0 : i32
      %dma_start3A_145 = tpu.memref_slice %dma_start3A_143[%mul3A_2, %dma_start3A_144] : memref<10240x128xf32, #tpu.memory_space<hbm>> -> memref<640x128xf32, #tpu.memory_space<hbm>>
      %dma_start3A_146 = arith.constant 0 : i32
      %dma_start3A_147 = tpu.memref_slice %arg19[%mul3A_2, %dma_start3A_146] : memref<10240x128xf32, #tpu.memory_space<vmem_shared>> -> memref<640x128xf32, #tpu.memory_space<vmem_shared>>
      tpu.enqueue_dma source(%dma_start3A_147 : memref<640x128xf32, #tpu.memory_space<vmem_shared>>) target(%dma_start3A_145 : memref<640x128xf32, #tpu.memory_space<hbm>>) target_semaphore(%run_scoped3A : memref<!tpu.dma_semaphore, #tpu.memory_space<semaphore_mem>>)
      %dma_wait3A_148 = arith.constant 0 : i32
      %dma_wait3A_149 = arith.constant 0 : i32
      %dma_wait3A_150 = tpu.memref_slice %arg7[%arg0, %dma_wait3A_148, %dma_wait3A_149] : memref<2x10240x128xf32, #tpu.memory_space<hbm>> -> memref<1x10240x128xf32, #tpu.memory_space<hbm>>
      %dma_wait3A_151 = tpu.memref_squeeze %dma_wait3A_150 : memref<1x10240x128xf32, #tpu.memory_space<hbm>> -> memref<10240x128xf32, #tpu.memory_space<hbm>>
      %dma_wait3A_152 = arith.constant 0 : i32
      %dma_wait3A_153 = tpu.memref_slice %dma_wait3A_151[%mul3A_2, %dma_wait3A_152] : memref<10240x128xf32, #tpu.memory_space<hbm>> -> memref<640x128xf32, #tpu.memory_space<hbm>>
      %dma_wait3A_154 = arith.constant 0 : i32
      %dma_wait3A_155 = tpu.memref_slice %arg19[%mul3A_2, %dma_wait3A_154] : memref<10240x128xf32, #tpu.memory_space<vmem_shared>> -> memref<640x128xf32, #tpu.memory_space<vmem_shared>>
      tpu.wait_dma2 semaphore(%run_scoped3A : memref<!tpu.dma_semaphore, #tpu.memory_space<semaphore_mem>>) src(%dma_wait3A_155 : memref<640x128xf32, #tpu.memory_space<vmem_shared>>) dst(%dma_wait3A_153 : memref<640x128xf32, #tpu.memory_space<hbm>>)
      tpu.yield
    }) : () -> ()
    "tpu.region"() ({
      %run_scoped3A = tpu.sem_alloc : memref<!tpu.dma_semaphore, #tpu.memory_space<semaphore_mem>>
      %dma_start3A_140 = arith.constant 0 : i32
      %dma_start3A_141 = tpu.memref_slice %arg8[%arg0, %dma_start3A_140] : memref<2x10240xf32, #tpu.memory_space<hbm>> -> memref<1x10240xf32, #tpu.memory_space<hbm>>
      %dma_start3A_142 = tpu.memref_squeeze %dma_start3A_141 : memref<1x10240xf32, #tpu.memory_space<hbm>> -> memref<10240xf32, #tpu.memory_space<hbm>>
      %dma_start3A_143 = tpu.memref_slice %dma_start3A_142[%mul3A_2] : memref<10240xf32, #tpu.memory_space<hbm>> -> memref<640xf32, #tpu.memory_space<hbm>>
      %dma_start3A_144 = tpu.memref_slice %arg20[%mul3A_2] : memref<10240xf32, #tpu.memory_space<vmem_shared>> -> memref<640xf32, #tpu.memory_space<vmem_shared>>
      tpu.enqueue_dma source(%dma_start3A_144 : memref<640xf32, #tpu.memory_space<vmem_shared>>) target(%dma_start3A_143 : memref<640xf32, #tpu.memory_space<hbm>>) target_semaphore(%run_scoped3A : memref<!tpu.dma_semaphore, #tpu.memory_space<semaphore_mem>>)
      %dma_wait3A_145 = arith.constant 0 : i32
      %dma_wait3A_146 = tpu.memref_slice %arg8[%arg0, %dma_wait3A_145] : memref<2x10240xf32, #tpu.memory_space<hbm>> -> memref<1x10240xf32, #tpu.memory_space<hbm>>
      %dma_wait3A_147 = tpu.memref_squeeze %dma_wait3A_146 : memref<1x10240xf32, #tpu.memory_space<hbm>> -> memref<10240xf32, #tpu.memory_space<hbm>>
      %dma_wait3A_148 = tpu.memref_slice %dma_wait3A_147[%mul3A_2] : memref<10240xf32, #tpu.memory_space<hbm>> -> memref<640xf32, #tpu.memory_space<hbm>>
      %dma_wait3A_149 = tpu.memref_slice %arg20[%mul3A_2] : memref<10240xf32, #tpu.memory_space<vmem_shared>> -> memref<640xf32, #tpu.memory_space<vmem_shared>>
      tpu.wait_dma2 semaphore(%run_scoped3A : memref<!tpu.dma_semaphore, #tpu.memory_space<semaphore_mem>>) src(%dma_wait3A_149 : memref<640xf32, #tpu.memory_space<vmem_shared>>) dst(%dma_wait3A_148 : memref<640xf32, #tpu.memory_space<hbm>>)
      tpu.yield
    }) : () -> ()
    return
  }
}

#map = affine_map<(d0, d1) -> (0, 0)>
#map1 = affine_map<(d0, d1) -> (0, 0, 0)>
module attributes {stable_mosaic.version = 14 : i64} {
  func.func @seg_sum(%arg0: i32, %arg1: i32, %arg2: memref<10000x128xf32, #tpu.memory_space<hbm>>, %arg3: memref<32x80x128xi32, #tpu.memory_space<hbm>>, %arg4: memref<32x80x128xi32, #tpu.memory_space<hbm>>, %arg5: memref<640x128xf32, #tpu.memory_space<hbm>>, %arg6: memref<2x10240x128xf32, #tpu.memory_space<hbm>>, %arg7: memref<80x128xi32, #tpu.memory_space<vmem>>, %arg8: memref<128x128xf32, #tpu.memory_space<vmem>>, %arg9: memref<128x128xf32, #tpu.memory_space<vmem>>, %arg10: memref<128xi32, #tpu.memory_space<vmem>>, %arg11: memref<128xi32, #tpu.memory_space<vmem>>, %arg12: memref<!tpu.dma_semaphore, #tpu.memory_space<semaphore_mem>>, %arg13: memref<!tpu.dma_semaphore, #tpu.memory_space<semaphore_mem>>, %arg14: memref<!tpu.dma_semaphore, #tpu.memory_space<semaphore_mem>>, %arg15: memref<!tpu.dma_semaphore, #tpu.memory_space<semaphore_mem>>, %arg16: memref<!tpu.dma_semaphore, #tpu.memory_space<semaphore_mem>>, %arg17: memref<10240x128xf32, #tpu.memory_space<vmem_shared>>) attributes {dimension_semantics = [#tpu.dimension_semantics<core_parallel>, #tpu.dimension_semantics<subcore_parallel>], iteration_bounds = array<i64: 2, 16>, scalar_prefetch = 0 : i64, scratch_operands = 11 : i64, tpu.core_type = #tpu.core_type<sc_vector_subcore>, window_params = [{transform_indices = #map}, {transform_indices = #map1}, {transform_indices = #map1}, {transform_indices = #map}, {transform_indices = #map1}]} {
    %mul3A = arith.constant 16 : i32
    %mul3A_0 = arith.muli %arg0, %mul3A : i32
    %add3A = arith.addi %mul3A_0, %arg1 : i32
    %mul3A_1 = arith.constant 640 : i32
    %mul3A_2 = arith.muli %arg1, %mul3A_1 : i32
    "tpu.region"() ({
      %run_scoped3A = tpu.sem_alloc : memref<!tpu.dma_semaphore, #tpu.memory_space<semaphore_mem>>
      %dma_start3A_94 = arith.constant 0 : i32
      %dma_start3A_95 = tpu.memref_slice %arg17[%mul3A_2, %dma_start3A_94] : memref<10240x128xf32, #tpu.memory_space<vmem_shared>> -> memref<640x128xf32, #tpu.memory_space<vmem_shared>>
      tpu.enqueue_dma source(%arg5 : memref<640x128xf32, #tpu.memory_space<hbm>>) target(%dma_start3A_95 : memref<640x128xf32, #tpu.memory_space<vmem_shared>>) target_semaphore(%run_scoped3A : memref<!tpu.dma_semaphore, #tpu.memory_space<semaphore_mem>>)
      %dma_wait3A_96 = arith.constant 0 : i32
      %dma_wait3A_97 = tpu.memref_slice %arg17[%mul3A_2, %dma_wait3A_96] : memref<10240x128xf32, #tpu.memory_space<vmem_shared>> -> memref<640x128xf32, #tpu.memory_space<vmem_shared>>
      tpu.wait_dma2 semaphore(%run_scoped3A : memref<!tpu.dma_semaphore, #tpu.memory_space<semaphore_mem>>) src(%arg5 : memref<640x128xf32, #tpu.memory_space<hbm>>) dst(%dma_wait3A_97 : memref<640x128xf32, #tpu.memory_space<vmem_shared>>)
      tpu.yield
    }) : () -> ()
    "tpu.region"() ({
      %run_scoped3A = tpu.sem_alloc : memref<!tpu.dma_semaphore, #tpu.memory_space<semaphore_mem>>
      %dma_start3A_94 = arith.constant 0 : i32
      %dma_start3A_95 = arith.constant 0 : i32
      %dma_start3A_96 = tpu.memref_slice %arg3[%add3A, %dma_start3A_94, %dma_start3A_95] : memref<32x80x128xi32, #tpu.memory_space<hbm>> -> memref<1x80x128xi32, #tpu.memory_space<hbm>>
      %dma_start3A_97 = tpu.memref_squeeze %dma_start3A_96 : memref<1x80x128xi32, #tpu.memory_space<hbm>> -> memref<80x128xi32, #tpu.memory_space<hbm>>
      %dma_start3A_98 = arith.constant 0 : i32
      %dma_start3A_99 = arith.constant 0 : i32
      %dma_start3A_100 = tpu.memref_slice %arg3[%add3A, %dma_start3A_98, %dma_start3A_99] : memref<32x80x128xi32, #tpu.memory_space<hbm>> -> memref<1x80x128xi32, #tpu.memory_space<hbm>>
      %dma_start3A_101 = tpu.memref_squeeze %dma_start3A_100 : memref<1x80x128xi32, #tpu.memory_space<hbm>> -> memref<80x128xi32, #tpu.memory_space<hbm>>
      tpu.enqueue_dma source(%dma_start3A_101 : memref<80x128xi32, #tpu.memory_space<hbm>>) target(%arg7 : memref<80x128xi32, #tpu.memory_space<vmem>>) target_semaphore(%run_scoped3A : memref<!tpu.dma_semaphore, #tpu.memory_space<semaphore_mem>>)
      %dma_wait3A_102 = arith.constant 0 : i32
      %dma_wait3A_103 = arith.constant 0 : i32
      %dma_wait3A_104 = tpu.memref_slice %arg3[%add3A, %dma_wait3A_102, %dma_wait3A_103] : memref<32x80x128xi32, #tpu.memory_space<hbm>> -> memref<1x80x128xi32, #tpu.memory_space<hbm>>
      %dma_wait3A_105 = tpu.memref_squeeze %dma_wait3A_104 : memref<1x80x128xi32, #tpu.memory_space<hbm>> -> memref<80x128xi32, #tpu.memory_space<hbm>>
      %dma_wait3A_106 = arith.constant 0 : i32
      %dma_wait3A_107 = arith.constant 0 : i32
      %dma_wait3A_108 = tpu.memref_slice %arg3[%add3A, %dma_wait3A_106, %dma_wait3A_107] : memref<32x80x128xi32, #tpu.memory_space<hbm>> -> memref<1x80x128xi32, #tpu.memory_space<hbm>>
      %dma_wait3A_109 = tpu.memref_squeeze %dma_wait3A_108 : memref<1x80x128xi32, #tpu.memory_space<hbm>> -> memref<80x128xi32, #tpu.memory_space<hbm>>
      tpu.wait_dma2 semaphore(%run_scoped3A : memref<!tpu.dma_semaphore, #tpu.memory_space<semaphore_mem>>) src(%dma_wait3A_109 : memref<80x128xi32, #tpu.memory_space<hbm>>) dst(%arg7 : memref<80x128xi32, #tpu.memory_space<vmem>>)
      tpu.yield
    }) : () -> ()
    %barrier3A = arith.constant 0 : index
    tpu.barrier barrier_id(%barrier3A)
    %rem3A = arith.constant 0 : i32
    %rem3A_3 = arith.constant 80 : i32
    %rem3A_4 = arith.remsi %rem3A, %rem3A_3 : i32
    %dma_start3A = arith.constant 0 : i32
    %dma_start3A_5 = tpu.memref_slice %arg7[%rem3A_4, %dma_start3A] : memref<80x128xi32, #tpu.memory_space<vmem>> -> memref<1x128xi32, #tpu.memory_space<vmem>>
    %dma_start3A_6 = tpu.memref_squeeze %dma_start3A_5 : memref<1x128xi32, #tpu.memory_space<vmem>> -> memref<128xi32, #tpu.memory_space<vmem>>
    %dma_start3A_7 = arith.constant 0 : i32
    %dma_start3A_8 = arith.constant 0 : i32
    %dma_start3A_9 = tpu.memref_slice %arg2[%dma_start3A_7, %dma_start3A_8] : memref<10000x128xf32, #tpu.memory_space<hbm>> -> memref<10000x128xf32, #tpu.memory_space<hbm>>
    tpu.enqueue_indirect_dma source(%dma_start3A_9 : memref<10000x128xf32, #tpu.memory_space<hbm>>) target(%arg8 : memref<128x128xf32, #tpu.memory_space<vmem>>) offsets(%dma_start3A_6 : memref<128xi32, #tpu.memory_space<vmem>>) semaphore(%arg12 : memref<!tpu.dma_semaphore, #tpu.memory_space<semaphore_mem>>)
    %dma_start3A_10 = arith.constant 0 : i32
    %dma_start3A_11 = arith.constant 0 : i32
    %dma_start3A_12 = tpu.memref_slice %arg4[%add3A, %dma_start3A_10, %dma_start3A_11] : memref<32x80x128xi32, #tpu.memory_space<hbm>> -> memref<1x80x128xi32, #tpu.memory_space<hbm>>
    %dma_start3A_13 = tpu.memref_squeeze %dma_start3A_12 : memref<1x80x128xi32, #tpu.memory_space<hbm>> -> memref<80x128xi32, #tpu.memory_space<hbm>>
    %dma_start3A_14 = arith.constant 0 : i32
    %dma_start3A_15 = tpu.memref_slice %dma_start3A_13[%rem3A_4, %dma_start3A_14] : memref<80x128xi32, #tpu.memory_space<hbm>> -> memref<1x128xi32, #tpu.memory_space<hbm>>
    %dma_start3A_16 = tpu.memref_squeeze %dma_start3A_15 : memref<1x128xi32, #tpu.memory_space<hbm>> -> memref<128xi32, #tpu.memory_space<hbm>>
    %dma_start3A_17 = arith.constant 0 : i32
    %dma_start3A_18 = arith.constant 0 : i32
    %dma_start3A_19 = tpu.memref_slice %arg4[%add3A, %dma_start3A_17, %dma_start3A_18] : memref<32x80x128xi32, #tpu.memory_space<hbm>> -> memref<1x80x128xi32, #tpu.memory_space<hbm>>
    %dma_start3A_20 = tpu.memref_squeeze %dma_start3A_19 : memref<1x80x128xi32, #tpu.memory_space<hbm>> -> memref<80x128xi32, #tpu.memory_space<hbm>>
    %dma_start3A_21 = arith.constant 0 : i32
    %dma_start3A_22 = tpu.memref_slice %dma_start3A_20[%rem3A_4, %dma_start3A_21] : memref<80x128xi32, #tpu.memory_space<hbm>> -> memref<1x128xi32, #tpu.memory_space<hbm>>
    %dma_start3A_23 = tpu.memref_squeeze %dma_start3A_22 : memref<1x128xi32, #tpu.memory_space<hbm>> -> memref<128xi32, #tpu.memory_space<hbm>>
    tpu.enqueue_dma source(%dma_start3A_23 : memref<128xi32, #tpu.memory_space<hbm>>) target(%arg10 : memref<128xi32, #tpu.memory_space<vmem>>) target_semaphore(%arg14 : memref<!tpu.dma_semaphore, #tpu.memory_space<semaphore_mem>>)
    %rem3A_24 = arith.constant 1 : i32
    %rem3A_25 = arith.constant 80 : i32
    %rem3A_26 = arith.remsi %rem3A_24, %rem3A_25 : i32
    %dma_start3A_27 = arith.constant 0 : i32
    %dma_start3A_28 = tpu.memref_slice %arg7[%rem3A_26, %dma_start3A_27] : memref<80x128xi32, #tpu.memory_space<vmem>> -> memref<1x128xi32, #tpu.memory_space<vmem>>
    %dma_start3A_29 = tpu.memref_squeeze %dma_start3A_28 : memref<1x128xi32, #tpu.memory_space<vmem>> -> memref<128xi32, #tpu.memory_space<vmem>>
    %dma_start3A_30 = arith.constant 0 : i32
    %dma_start3A_31 = arith.constant 0 : i32
    %dma_start3A_32 = tpu.memref_slice %arg2[%dma_start3A_30, %dma_start3A_31] : memref<10000x128xf32, #tpu.memory_space<hbm>> -> memref<10000x128xf32, #tpu.memory_space<hbm>>
    tpu.enqueue_indirect_dma source(%dma_start3A_32 : memref<10000x128xf32, #tpu.memory_space<hbm>>) target(%arg9 : memref<128x128xf32, #tpu.memory_space<vmem>>) offsets(%dma_start3A_29 : memref<128xi32, #tpu.memory_space<vmem>>) semaphore(%arg13 : memref<!tpu.dma_semaphore, #tpu.memory_space<semaphore_mem>>)
    %dma_start3A_33 = arith.constant 0 : i32
    %dma_start3A_34 = arith.constant 0 : i32
    %dma_start3A_35 = tpu.memref_slice %arg4[%add3A, %dma_start3A_33, %dma_start3A_34] : memref<32x80x128xi32, #tpu.memory_space<hbm>> -> memref<1x80x128xi32, #tpu.memory_space<hbm>>
    %dma_start3A_36 = tpu.memref_squeeze %dma_start3A_35 : memref<1x80x128xi32, #tpu.memory_space<hbm>> -> memref<80x128xi32, #tpu.memory_space<hbm>>
    %dma_start3A_37 = arith.constant 0 : i32
    %dma_start3A_38 = tpu.memref_slice %dma_start3A_36[%rem3A_26, %dma_start3A_37] : memref<80x128xi32, #tpu.memory_space<hbm>> -> memref<1x128xi32, #tpu.memory_space<hbm>>
    %dma_start3A_39 = tpu.memref_squeeze %dma_start3A_38 : memref<1x128xi32, #tpu.memory_space<hbm>> -> memref<128xi32, #tpu.memory_space<hbm>>
    %dma_start3A_40 = arith.constant 0 : i32
    %dma_start3A_41 = arith.constant 0 : i32
    %dma_start3A_42 = tpu.memref_slice %arg4[%add3A, %dma_start3A_40, %dma_start3A_41] : memref<32x80x128xi32, #tpu.memory_space<hbm>> -> memref<1x80x128xi32, #tpu.memory_space<hbm>>
    %dma_start3A_43 = tpu.memref_squeeze %dma_start3A_42 : memref<1x80x128xi32, #tpu.memory_space<hbm>> -> memref<80x128xi32, #tpu.memory_space<hbm>>
    %dma_start3A_44 = arith.constant 0 : i32
    %dma_start3A_45 = tpu.memref_slice %dma_start3A_43[%rem3A_26, %dma_start3A_44] : memref<80x128xi32, #tpu.memory_space<hbm>> -> memref<1x128xi32, #tpu.memory_space<hbm>>
    %dma_start3A_46 = tpu.memref_squeeze %dma_start3A_45 : memref<1x128xi32, #tpu.memory_space<hbm>> -> memref<128xi32, #tpu.memory_space<hbm>>
    tpu.enqueue_dma source(%dma_start3A_46 : memref<128xi32, #tpu.memory_space<hbm>>) target(%arg11 : memref<128xi32, #tpu.memory_space<vmem>>) target_semaphore(%arg15 : memref<!tpu.dma_semaphore, #tpu.memory_space<semaphore_mem>>)
    %scan3A = arith.constant 0 : i32
    %scan3A_47 = arith.constant 0 : i32
    %scan3A_48 = arith.constant 40 : i32
    %scan3A_49 = arith.addi %scan3A_47, %scan3A_48 : i32
    %scan3A_50 = arith.constant 1 : i32
    scf.for %scan3A_94 = %scan3A_47 to %scan3A_49 step %scan3A_50  : i32 {
      %mul3A_95 = arith.constant 2 : i32
      %mul3A_96 = arith.muli %mul3A_95, %scan3A_94 : i32
      %dma_wait3A_97 = arith.constant 0 : i32
      %dma_wait3A_98 = arith.constant 0 : i32
      %dma_wait3A_99 = tpu.memref_slice %arg2[%dma_wait3A_97, %dma_wait3A_98] : memref<10000x128xf32, #tpu.memory_space<hbm>> -> memref<128x128xf32, #tpu.memory_space<hbm>>
      %dma_wait3A_100 = arith.constant 0 : i32
      %dma_wait3A_101 = arith.constant 0 : i32
      %dma_wait3A_102 = tpu.memref_slice %arg2[%dma_wait3A_100, %dma_wait3A_101] : memref<10000x128xf32, #tpu.memory_space<hbm>> -> memref<128x128xf32, #tpu.memory_space<hbm>>
      tpu.wait_dma2 semaphore(%arg12 : memref<!tpu.dma_semaphore, #tpu.memory_space<semaphore_mem>>) src(%dma_wait3A_102 : memref<128x128xf32, #tpu.memory_space<hbm>>) dst(%arg8 : memref<128x128xf32, #tpu.memory_space<vmem>>)
      %dma_wait3A_103 = arith.constant 0 : i32
      %dma_wait3A_104 = arith.constant 0 : i32
      %dma_wait3A_105 = arith.constant 0 : i32
      %dma_wait3A_106 = tpu.memref_slice %arg4[%add3A, %dma_wait3A_104, %dma_wait3A_105] : memref<32x80x128xi32, #tpu.memory_space<hbm>> -> memref<1x80x128xi32, #tpu.memory_space<hbm>>
      %dma_wait3A_107 = tpu.memref_squeeze %dma_wait3A_106 : memref<1x80x128xi32, #tpu.memory_space<hbm>> -> memref<80x128xi32, #tpu.memory_space<hbm>>
      %dma_wait3A_108 = arith.constant 0 : i32
      %dma_wait3A_109 = tpu.memref_slice %dma_wait3A_107[%dma_wait3A_103, %dma_wait3A_108] : memref<80x128xi32, #tpu.memory_space<hbm>> -> memref<1x128xi32, #tpu.memory_space<hbm>>
      %dma_wait3A_110 = tpu.memref_squeeze %dma_wait3A_109 : memref<1x128xi32, #tpu.memory_space<hbm>> -> memref<128xi32, #tpu.memory_space<hbm>>
      %dma_wait3A_111 = arith.constant 0 : i32
      %dma_wait3A_112 = arith.constant 0 : i32
      %dma_wait3A_113 = tpu.memref_slice %arg4[%add3A, %dma_wait3A_111, %dma_wait3A_112] : memref<32x80x128xi32, #tpu.memory_space<hbm>> -> memref<1x80x128xi32, #tpu.memory_space<hbm>>
      %dma_wait3A_114 = tpu.memref_squeeze %dma_wait3A_113 : memref<1x80x128xi32, #tpu.memory_space<hbm>> -> memref<80x128xi32, #tpu.memory_space<hbm>>
      %dma_wait3A_115 = arith.constant 0 : i32
      %dma_wait3A_116 = tpu.memref_slice %dma_wait3A_114[%dma_wait3A_103, %dma_wait3A_115] : memref<80x128xi32, #tpu.memory_space<hbm>> -> memref<1x128xi32, #tpu.memory_space<hbm>>
      %dma_wait3A_117 = tpu.memref_squeeze %dma_wait3A_116 : memref<1x128xi32, #tpu.memory_space<hbm>> -> memref<128xi32, #tpu.memory_space<hbm>>
      tpu.wait_dma2 semaphore(%arg14 : memref<!tpu.dma_semaphore, #tpu.memory_space<semaphore_mem>>) src(%dma_wait3A_117 : memref<128xi32, #tpu.memory_space<hbm>>) dst(%arg10 : memref<128xi32, #tpu.memory_space<vmem>>)
      %dma_start3A_118 = arith.constant 0 : i32
      %dma_start3A_119 = arith.constant 0 : i32
      %dma_start3A_120 = tpu.memref_slice %arg17[%dma_start3A_118, %dma_start3A_119] : memref<10240x128xf32, #tpu.memory_space<vmem_shared>> -> memref<10240x128xf32, #tpu.memory_space<vmem_shared>>
      tpu.enqueue_indirect_dma source(%arg8 : memref<128x128xf32, #tpu.memory_space<vmem>>) target(%dma_start3A_120 : memref<10240x128xf32, #tpu.memory_space<vmem_shared>>) offsets(%arg10 : memref<128xi32, #tpu.memory_space<vmem>>) semaphore(%arg16 : memref<!tpu.dma_semaphore, #tpu.memory_space<semaphore_mem>>) {add = true}
      %dma_wait3A_121 = arith.constant 0 : i32
      %dma_wait3A_122 = arith.constant 0 : i32
      %dma_wait3A_123 = tpu.memref_slice %arg17[%dma_wait3A_121, %dma_wait3A_122] : memref<10240x128xf32, #tpu.memory_space<vmem_shared>> -> memref<10240x128xf32, #tpu.memory_space<vmem_shared>>
      tpu.wait_indirect_dma semaphore(%arg16 : memref<!tpu.dma_semaphore, #tpu.memory_space<semaphore_mem>>) src(%arg8 : memref<128x128xf32, #tpu.memory_space<vmem>>) dst(%dma_wait3A_123 : memref<10240x128xf32, #tpu.memory_space<vmem_shared>>)
      %add3A_124 = arith.constant 2 : i32
      %add3A_125 = arith.addi %mul3A_96, %add3A_124 : i32
      %rem3A_126 = arith.constant 80 : i32
      %rem3A_127 = arith.remsi %add3A_125, %rem3A_126 : i32
      %dma_start3A_128 = arith.constant 0 : i32
      %dma_start3A_129 = tpu.memref_slice %arg7[%rem3A_127, %dma_start3A_128] : memref<80x128xi32, #tpu.memory_space<vmem>> -> memref<1x128xi32, #tpu.memory_space<vmem>>
      %dma_start3A_130 = tpu.memref_squeeze %dma_start3A_129 : memref<1x128xi32, #tpu.memory_space<vmem>> -> memref<128xi32, #tpu.memory_space<vmem>>
      %dma_start3A_131 = arith.constant 0 : i32
      %dma_start3A_132 = arith.constant 0 : i32
      %dma_start3A_133 = tpu.memref_slice %arg2[%dma_start3A_131, %dma_start3A_132] : memref<10000x128xf32, #tpu.memory_space<hbm>> -> memref<10000x128xf32, #tpu.memory_space<hbm>>
      tpu.enqueue_indirect_dma source(%dma_start3A_133 : memref<10000x128xf32, #tpu.memory_space<hbm>>) target(%arg8 : memref<128x128xf32, #tpu.memory_space<vmem>>) offsets(%dma_start3A_130 : memref<128xi32, #tpu.memory_space<vmem>>) semaphore(%arg12 : memref<!tpu.dma_semaphore, #tpu.memory_space<semaphore_mem>>)
      %dma_start3A_134 = arith.constant 0 : i32
      %dma_start3A_135 = arith.constant 0 : i32
      %dma_start3A_136 = tpu.memref_slice %arg4[%add3A, %dma_start3A_134, %dma_start3A_135] : memref<32x80x128xi32, #tpu.memory_space<hbm>> -> memref<1x80x128xi32, #tpu.memory_space<hbm>>
      %dma_start3A_137 = tpu.memref_squeeze %dma_start3A_136 : memref<1x80x128xi32, #tpu.memory_space<hbm>> -> memref<80x128xi32, #tpu.memory_space<hbm>>
      %dma_start3A_138 = arith.constant 0 : i32
      %dma_start3A_139 = tpu.memref_slice %dma_start3A_137[%rem3A_127, %dma_start3A_138] : memref<80x128xi32, #tpu.memory_space<hbm>> -> memref<1x128xi32, #tpu.memory_space<hbm>>
      %dma_start3A_140 = tpu.memref_squeeze %dma_start3A_139 : memref<1x128xi32, #tpu.memory_space<hbm>> -> memref<128xi32, #tpu.memory_space<hbm>>
      %dma_start3A_141 = arith.constant 0 : i32
      %dma_start3A_142 = arith.constant 0 : i32
      %dma_start3A_143 = tpu.memref_slice %arg4[%add3A, %dma_start3A_141, %dma_start3A_142] : memref<32x80x128xi32, #tpu.memory_space<hbm>> -> memref<1x80x128xi32, #tpu.memory_space<hbm>>
      %dma_start3A_144 = tpu.memref_squeeze %dma_start3A_143 : memref<1x80x128xi32, #tpu.memory_space<hbm>> -> memref<80x128xi32, #tpu.memory_space<hbm>>
      %dma_start3A_145 = arith.constant 0 : i32
      %dma_start3A_146 = tpu.memref_slice %dma_start3A_144[%rem3A_127, %dma_start3A_145] : memref<80x128xi32, #tpu.memory_space<hbm>> -> memref<1x128xi32, #tpu.memory_space<hbm>>
      %dma_start3A_147 = tpu.memref_squeeze %dma_start3A_146 : memref<1x128xi32, #tpu.memory_space<hbm>> -> memref<128xi32, #tpu.memory_space<hbm>>
      tpu.enqueue_dma source(%dma_start3A_147 : memref<128xi32, #tpu.memory_space<hbm>>) target(%arg10 : memref<128xi32, #tpu.memory_space<vmem>>) target_semaphore(%arg14 : memref<!tpu.dma_semaphore, #tpu.memory_space<semaphore_mem>>)
      %dma_wait3A_148 = arith.constant 0 : i32
      %dma_wait3A_149 = arith.constant 0 : i32
      %dma_wait3A_150 = tpu.memref_slice %arg2[%dma_wait3A_148, %dma_wait3A_149] : memref<10000x128xf32, #tpu.memory_space<hbm>> -> memref<128x128xf32, #tpu.memory_space<hbm>>
      %dma_wait3A_151 = arith.constant 0 : i32
      %dma_wait3A_152 = arith.constant 0 : i32
      %dma_wait3A_153 = tpu.memref_slice %arg2[%dma_wait3A_151, %dma_wait3A_152] : memref<10000x128xf32, #tpu.memory_space<hbm>> -> memref<128x128xf32, #tpu.memory_space<hbm>>
      tpu.wait_dma2 semaphore(%arg13 : memref<!tpu.dma_semaphore, #tpu.memory_space<semaphore_mem>>) src(%dma_wait3A_153 : memref<128x128xf32, #tpu.memory_space<hbm>>) dst(%arg9 : memref<128x128xf32, #tpu.memory_space<vmem>>)
      %dma_wait3A_154 = arith.constant 0 : i32
      %dma_wait3A_155 = arith.constant 0 : i32
      %dma_wait3A_156 = arith.constant 0 : i32
      %dma_wait3A_157 = tpu.memref_slice %arg4[%add3A, %dma_wait3A_155, %dma_wait3A_156] : memref<32x80x128xi32, #tpu.memory_space<hbm>> -> memref<1x80x128xi32, #tpu.memory_space<hbm>>
      %dma_wait3A_158 = tpu.memref_squeeze %dma_wait3A_157 : memref<1x80x128xi32, #tpu.memory_space<hbm>> -> memref<80x128xi32, #tpu.memory_space<hbm>>
      %dma_wait3A_159 = arith.constant 0 : i32
      %dma_wait3A_160 = tpu.memref_slice %dma_wait3A_158[%dma_wait3A_154, %dma_wait3A_159] : memref<80x128xi32, #tpu.memory_space<hbm>> -> memref<1x128xi32, #tpu.memory_space<hbm>>
      %dma_wait3A_161 = tpu.memref_squeeze %dma_wait3A_160 : memref<1x128xi32, #tpu.memory_space<hbm>> -> memref<128xi32, #tpu.memory_space<hbm>>
      %dma_wait3A_162 = arith.constant 0 : i32
      %dma_wait3A_163 = arith.constant 0 : i32
      %dma_wait3A_164 = tpu.memref_slice %arg4[%add3A, %dma_wait3A_162, %dma_wait3A_163] : memref<32x80x128xi32, #tpu.memory_space<hbm>> -> memref<1x80x128xi32, #tpu.memory_space<hbm>>
      %dma_wait3A_165 = tpu.memref_squeeze %dma_wait3A_164 : memref<1x80x128xi32, #tpu.memory_space<hbm>> -> memref<80x128xi32, #tpu.memory_space<hbm>>
      %dma_wait3A_166 = arith.constant 0 : i32
      %dma_wait3A_167 = tpu.memref_slice %dma_wait3A_165[%dma_wait3A_154, %dma_wait3A_166] : memref<80x128xi32, #tpu.memory_space<hbm>> -> memref<1x128xi32, #tpu.memory_space<hbm>>
      %dma_wait3A_168 = tpu.memref_squeeze %dma_wait3A_167 : memref<1x128xi32, #tpu.memory_space<hbm>> -> memref<128xi32, #tpu.memory_space<hbm>>
      tpu.wait_dma2 semaphore(%arg15 : memref<!tpu.dma_semaphore, #tpu.memory_space<semaphore_mem>>) src(%dma_wait3A_168 : memref<128xi32, #tpu.memory_space<hbm>>) dst(%arg11 : memref<128xi32, #tpu.memory_space<vmem>>)
      %dma_start3A_169 = arith.constant 0 : i32
      %dma_start3A_170 = arith.constant 0 : i32
      %dma_start3A_171 = tpu.memref_slice %arg17[%dma_start3A_169, %dma_start3A_170] : memref<10240x128xf32, #tpu.memory_space<vmem_shared>> -> memref<10240x128xf32, #tpu.memory_space<vmem_shared>>
      tpu.enqueue_indirect_dma source(%arg9 : memref<128x128xf32, #tpu.memory_space<vmem>>) target(%dma_start3A_171 : memref<10240x128xf32, #tpu.memory_space<vmem_shared>>) offsets(%arg11 : memref<128xi32, #tpu.memory_space<vmem>>) semaphore(%arg16 : memref<!tpu.dma_semaphore, #tpu.memory_space<semaphore_mem>>) {add = true}
      %dma_wait3A_172 = arith.constant 0 : i32
      %dma_wait3A_173 = arith.constant 0 : i32
      %dma_wait3A_174 = tpu.memref_slice %arg17[%dma_wait3A_172, %dma_wait3A_173] : memref<10240x128xf32, #tpu.memory_space<vmem_shared>> -> memref<10240x128xf32, #tpu.memory_space<vmem_shared>>
      tpu.wait_indirect_dma semaphore(%arg16 : memref<!tpu.dma_semaphore, #tpu.memory_space<semaphore_mem>>) src(%arg9 : memref<128x128xf32, #tpu.memory_space<vmem>>) dst(%dma_wait3A_174 : memref<10240x128xf32, #tpu.memory_space<vmem_shared>>)
      %add3A_175 = arith.constant 3 : i32
      %add3A_176 = arith.addi %mul3A_96, %add3A_175 : i32
      %rem3A_177 = arith.constant 80 : i32
      %rem3A_178 = arith.remsi %add3A_176, %rem3A_177 : i32
      %dma_start3A_179 = arith.constant 0 : i32
      %dma_start3A_180 = tpu.memref_slice %arg7[%rem3A_178, %dma_start3A_179] : memref<80x128xi32, #tpu.memory_space<vmem>> -> memref<1x128xi32, #tpu.memory_space<vmem>>
      %dma_start3A_181 = tpu.memref_squeeze %dma_start3A_180 : memref<1x128xi32, #tpu.memory_space<vmem>> -> memref<128xi32, #tpu.memory_space<vmem>>
      %dma_start3A_182 = arith.constant 0 : i32
      %dma_start3A_183 = arith.constant 0 : i32
      %dma_start3A_184 = tpu.memref_slice %arg2[%dma_start3A_182, %dma_start3A_183] : memref<10000x128xf32, #tpu.memory_space<hbm>> -> memref<10000x128xf32, #tpu.memory_space<hbm>>
      tpu.enqueue_indirect_dma source(%dma_start3A_184 : memref<10000x128xf32, #tpu.memory_space<hbm>>) target(%arg9 : memref<128x128xf32, #tpu.memory_space<vmem>>) offsets(%dma_start3A_181 : memref<128xi32, #tpu.memory_space<vmem>>) semaphore(%arg13 : memref<!tpu.dma_semaphore, #tpu.memory_space<semaphore_mem>>)
      %dma_start3A_185 = arith.constant 0 : i32
      %dma_start3A_186 = arith.constant 0 : i32
      %dma_start3A_187 = tpu.memref_slice %arg4[%add3A, %dma_start3A_185, %dma_start3A_186] : memref<32x80x128xi32, #tpu.memory_space<hbm>> -> memref<1x80x128xi32, #tpu.memory_space<hbm>>
      %dma_start3A_188 = tpu.memref_squeeze %dma_start3A_187 : memref<1x80x128xi32, #tpu.memory_space<hbm>> -> memref<80x128xi32, #tpu.memory_space<hbm>>
      %dma_start3A_189 = arith.constant 0 : i32
      %dma_start3A_190 = tpu.memref_slice %dma_start3A_188[%rem3A_178, %dma_start3A_189] : memref<80x128xi32, #tpu.memory_space<hbm>> -> memref<1x128xi32, #tpu.memory_space<hbm>>
      %dma_start3A_191 = tpu.memref_squeeze %dma_start3A_190 : memref<1x128xi32, #tpu.memory_space<hbm>> -> memref<128xi32, #tpu.memory_space<hbm>>
      %dma_start3A_192 = arith.constant 0 : i32
      %dma_start3A_193 = arith.constant 0 : i32
      %dma_start3A_194 = tpu.memref_slice %arg4[%add3A, %dma_start3A_192, %dma_start3A_193] : memref<32x80x128xi32, #tpu.memory_space<hbm>> -> memref<1x80x128xi32, #tpu.memory_space<hbm>>
      %dma_start3A_195 = tpu.memref_squeeze %dma_start3A_194 : memref<1x80x128xi32, #tpu.memory_space<hbm>> -> memref<80x128xi32, #tpu.memory_space<hbm>>
      %dma_start3A_196 = arith.constant 0 : i32
      %dma_start3A_197 = tpu.memref_slice %dma_start3A_195[%rem3A_178, %dma_start3A_196] : memref<80x128xi32, #tpu.memory_space<hbm>> -> memref<1x128xi32, #tpu.memory_space<hbm>>
      %dma_start3A_198 = tpu.memref_squeeze %dma_start3A_197 : memref<1x128xi32, #tpu.memory_space<hbm>> -> memref<128xi32, #tpu.memory_space<hbm>>
      tpu.enqueue_dma source(%dma_start3A_198 : memref<128xi32, #tpu.memory_space<hbm>>) target(%arg11 : memref<128xi32, #tpu.memory_space<vmem>>) target_semaphore(%arg15 : memref<!tpu.dma_semaphore, #tpu.memory_space<semaphore_mem>>)
    }
    %scan3A_51 = arith.constant 40 : i32
    %dma_wait3A = arith.constant 0 : i32
    %dma_wait3A_52 = arith.constant 0 : i32
    %dma_wait3A_53 = tpu.memref_slice %arg2[%dma_wait3A, %dma_wait3A_52] : memref<10000x128xf32, #tpu.memory_space<hbm>> -> memref<128x128xf32, #tpu.memory_space<hbm>>
    %dma_wait3A_54 = arith.constant 0 : i32
    %dma_wait3A_55 = arith.constant 0 : i32
    %dma_wait3A_56 = tpu.memref_slice %arg2[%dma_wait3A_54, %dma_wait3A_55] : memref<10000x128xf32, #tpu.memory_space<hbm>> -> memref<128x128xf32, #tpu.memory_space<hbm>>
    tpu.wait_dma2 semaphore(%arg12 : memref<!tpu.dma_semaphore, #tpu.memory_space<semaphore_mem>>) src(%dma_wait3A_56 : memref<128x128xf32, #tpu.memory_space<hbm>>) dst(%arg8 : memref<128x128xf32, #tpu.memory_space<vmem>>)
    %dma_wait3A_57 = arith.constant 0 : i32
    %dma_wait3A_58 = arith.constant 0 : i32
    %dma_wait3A_59 = arith.constant 0 : i32
    %dma_wait3A_60 = tpu.memref_slice %arg4[%add3A, %dma_wait3A_58, %dma_wait3A_59] : memref<32x80x128xi32, #tpu.memory_space<hbm>> -> memref<1x80x128xi32, #tpu.memory_space<hbm>>
    %dma_wait3A_61 = tpu.memref_squeeze %dma_wait3A_60 : memref<1x80x128xi32, #tpu.memory_space<hbm>> -> memref<80x128xi32, #tpu.memory_space<hbm>>
    %dma_wait3A_62 = arith.constant 0 : i32
    %dma_wait3A_63 = tpu.memref_slice %dma_wait3A_61[%dma_wait3A_57, %dma_wait3A_62] : memref<80x128xi32, #tpu.memory_space<hbm>> -> memref<1x128xi32, #tpu.memory_space<hbm>>
    %dma_wait3A_64 = tpu.memref_squeeze %dma_wait3A_63 : memref<1x128xi32, #tpu.memory_space<hbm>> -> memref<128xi32, #tpu.memory_space<hbm>>
    %dma_wait3A_65 = arith.constant 0 : i32
    %dma_wait3A_66 = arith.constant 0 : i32
    %dma_wait3A_67 = tpu.memref_slice %arg4[%add3A, %dma_wait3A_65, %dma_wait3A_66] : memref<32x80x128xi32, #tpu.memory_space<hbm>> -> memref<1x80x128xi32, #tpu.memory_space<hbm>>
    %dma_wait3A_68 = tpu.memref_squeeze %dma_wait3A_67 : memref<1x80x128xi32, #tpu.memory_space<hbm>> -> memref<80x128xi32, #tpu.memory_space<hbm>>
    %dma_wait3A_69 = arith.constant 0 : i32
    %dma_wait3A_70 = tpu.memref_slice %dma_wait3A_68[%dma_wait3A_57, %dma_wait3A_69] : memref<80x128xi32, #tpu.memory_space<hbm>> -> memref<1x128xi32, #tpu.memory_space<hbm>>
    %dma_wait3A_71 = tpu.memref_squeeze %dma_wait3A_70 : memref<1x128xi32, #tpu.memory_space<hbm>> -> memref<128xi32, #tpu.memory_space<hbm>>
    tpu.wait_dma2 semaphore(%arg14 : memref<!tpu.dma_semaphore, #tpu.memory_space<semaphore_mem>>) src(%dma_wait3A_71 : memref<128xi32, #tpu.memory_space<hbm>>) dst(%arg10 : memref<128xi32, #tpu.memory_space<vmem>>)
    %dma_wait3A_72 = arith.constant 0 : i32
    %dma_wait3A_73 = arith.constant 0 : i32
    %dma_wait3A_74 = tpu.memref_slice %arg2[%dma_wait3A_72, %dma_wait3A_73] : memref<10000x128xf32, #tpu.memory_space<hbm>> -> memref<128x128xf32, #tpu.memory_space<hbm>>
    %dma_wait3A_75 = arith.constant 0 : i32
    %dma_wait3A_76 = arith.constant 0 : i32
    %dma_wait3A_77 = tpu.memref_slice %arg2[%dma_wait3A_75, %dma_wait3A_76] : memref<10000x128xf32, #tpu.memory_space<hbm>> -> memref<128x128xf32, #tpu.memory_space<hbm>>
    tpu.wait_dma2 semaphore(%arg13 : memref<!tpu.dma_semaphore, #tpu.memory_space<semaphore_mem>>) src(%dma_wait3A_77 : memref<128x128xf32, #tpu.memory_space<hbm>>) dst(%arg9 : memref<128x128xf32, #tpu.memory_space<vmem>>)
    %dma_wait3A_78 = arith.constant 0 : i32
    %dma_wait3A_79 = arith.constant 0 : i32
    %dma_wait3A_80 = arith.constant 0 : i32
    %dma_wait3A_81 = tpu.memref_slice %arg4[%add3A, %dma_wait3A_79, %dma_wait3A_80] : memref<32x80x128xi32, #tpu.memory_space<hbm>> -> memref<1x80x128xi32, #tpu.memory_space<hbm>>
    %dma_wait3A_82 = tpu.memref_squeeze %dma_wait3A_81 : memref<1x80x128xi32, #tpu.memory_space<hbm>> -> memref<80x128xi32, #tpu.memory_space<hbm>>
    %dma_wait3A_83 = arith.constant 0 : i32
    %dma_wait3A_84 = tpu.memref_slice %dma_wait3A_82[%dma_wait3A_78, %dma_wait3A_83] : memref<80x128xi32, #tpu.memory_space<hbm>> -> memref<1x128xi32, #tpu.memory_space<hbm>>
    %dma_wait3A_85 = tpu.memref_squeeze %dma_wait3A_84 : memref<1x128xi32, #tpu.memory_space<hbm>> -> memref<128xi32, #tpu.memory_space<hbm>>
    %dma_wait3A_86 = arith.constant 0 : i32
    %dma_wait3A_87 = arith.constant 0 : i32
    %dma_wait3A_88 = tpu.memref_slice %arg4[%add3A, %dma_wait3A_86, %dma_wait3A_87] : memref<32x80x128xi32, #tpu.memory_space<hbm>> -> memref<1x80x128xi32, #tpu.memory_space<hbm>>
    %dma_wait3A_89 = tpu.memref_squeeze %dma_wait3A_88 : memref<1x80x128xi32, #tpu.memory_space<hbm>> -> memref<80x128xi32, #tpu.memory_space<hbm>>
    %dma_wait3A_90 = arith.constant 0 : i32
    %dma_wait3A_91 = tpu.memref_slice %dma_wait3A_89[%dma_wait3A_78, %dma_wait3A_90] : memref<80x128xi32, #tpu.memory_space<hbm>> -> memref<1x128xi32, #tpu.memory_space<hbm>>
    %dma_wait3A_92 = tpu.memref_squeeze %dma_wait3A_91 : memref<1x128xi32, #tpu.memory_space<hbm>> -> memref<128xi32, #tpu.memory_space<hbm>>
    tpu.wait_dma2 semaphore(%arg15 : memref<!tpu.dma_semaphore, #tpu.memory_space<semaphore_mem>>) src(%dma_wait3A_92 : memref<128xi32, #tpu.memory_space<hbm>>) dst(%arg11 : memref<128xi32, #tpu.memory_space<vmem>>)
    %barrier3A_93 = arith.constant 0 : index
    tpu.barrier barrier_id(%barrier3A_93)
    "tpu.region"() ({
      %run_scoped3A = tpu.sem_alloc : memref<!tpu.dma_semaphore, #tpu.memory_space<semaphore_mem>>
      %dma_start3A_94 = arith.constant 0 : i32
      %dma_start3A_95 = arith.constant 0 : i32
      %dma_start3A_96 = tpu.memref_slice %arg6[%arg0, %dma_start3A_94, %dma_start3A_95] : memref<2x10240x128xf32, #tpu.memory_space<hbm>> -> memref<1x10240x128xf32, #tpu.memory_space<hbm>>
      %dma_start3A_97 = tpu.memref_squeeze %dma_start3A_96 : memref<1x10240x128xf32, #tpu.memory_space<hbm>> -> memref<10240x128xf32, #tpu.memory_space<hbm>>
      %dma_start3A_98 = arith.constant 0 : i32
      %dma_start3A_99 = tpu.memref_slice %dma_start3A_97[%mul3A_2, %dma_start3A_98] : memref<10240x128xf32, #tpu.memory_space<hbm>> -> memref<640x128xf32, #tpu.memory_space<hbm>>
      %dma_start3A_100 = arith.constant 0 : i32
      %dma_start3A_101 = tpu.memref_slice %arg17[%mul3A_2, %dma_start3A_100] : memref<10240x128xf32, #tpu.memory_space<vmem_shared>> -> memref<640x128xf32, #tpu.memory_space<vmem_shared>>
      tpu.enqueue_dma source(%dma_start3A_101 : memref<640x128xf32, #tpu.memory_space<vmem_shared>>) target(%dma_start3A_99 : memref<640x128xf32, #tpu.memory_space<hbm>>) target_semaphore(%run_scoped3A : memref<!tpu.dma_semaphore, #tpu.memory_space<semaphore_mem>>)
      %dma_wait3A_102 = arith.constant 0 : i32
      %dma_wait3A_103 = arith.constant 0 : i32
      %dma_wait3A_104 = tpu.memref_slice %arg6[%arg0, %dma_wait3A_102, %dma_wait3A_103] : memref<2x10240x128xf32, #tpu.memory_space<hbm>> -> memref<1x10240x128xf32, #tpu.memory_space<hbm>>
      %dma_wait3A_105 = tpu.memref_squeeze %dma_wait3A_104 : memref<1x10240x128xf32, #tpu.memory_space<hbm>> -> memref<10240x128xf32, #tpu.memory_space<hbm>>
      %dma_wait3A_106 = arith.constant 0 : i32
      %dma_wait3A_107 = tpu.memref_slice %dma_wait3A_105[%mul3A_2, %dma_wait3A_106] : memref<10240x128xf32, #tpu.memory_space<hbm>> -> memref<640x128xf32, #tpu.memory_space<hbm>>
      %dma_wait3A_108 = arith.constant 0 : i32
      %dma_wait3A_109 = tpu.memref_slice %arg17[%mul3A_2, %dma_wait3A_108] : memref<10240x128xf32, #tpu.memory_space<vmem_shared>> -> memref<640x128xf32, #tpu.memory_space<vmem_shared>>
      tpu.wait_dma2 semaphore(%run_scoped3A : memref<!tpu.dma_semaphore, #tpu.memory_space<semaphore_mem>>) src(%dma_wait3A_109 : memref<640x128xf32, #tpu.memory_space<vmem_shared>>) dst(%dma_wait3A_107 : memref<640x128xf32, #tpu.memory_space<hbm>>)
      tpu.yield
    }) : () -> ()
    return
  }
}

module attributes {stable_mosaic.version = 14 : i64} {
  func.func @_node_mlp_body(%arg0: i32, %arg1: memref<1000x128xf32, #tpu.memory_space<vmem>>, %arg2: memref<128x128xf32, #tpu.memory_space<vmem>>, %arg3: memref<1x128xf32, #tpu.memory_space<vmem>>, %arg4: memref<1x128xf32, #tpu.memory_space<vmem>>, %arg5: memref<1x128xf32, #tpu.memory_space<vmem>>, %arg6: memref<128x128xf32, #tpu.memory_space<vmem>>, %arg7: memref<1x128xf32, #tpu.memory_space<vmem>>, %arg8: memref<1000x128xf32, #tpu.memory_space<vmem>>) attributes {dimension_semantics = [#tpu.dimension_semantics<arbitrary>], iteration_bounds = array<i64: 10>, scalar_prefetch = 0 : i64, scratch_operands = 0 : i64, tpu.core_type = #tpu.core_type<tc>, window_params = [{transform_indices = @transform_0, window_bounds = array<i64: 1000, 128>}, {pipeline_mode = #tpu.pipeline_mode<synchronous>, transform_indices = @transform_1, window_bounds = array<i64: 128, 128>}, {pipeline_mode = #tpu.pipeline_mode<synchronous>, transform_indices = @transform_2, window_bounds = array<i64: 1, 128>}, {pipeline_mode = #tpu.pipeline_mode<synchronous>, transform_indices = @transform_3, window_bounds = array<i64: 1, 128>}, {pipeline_mode = #tpu.pipeline_mode<synchronous>, transform_indices = @transform_4, window_bounds = array<i64: 1, 128>}, {pipeline_mode = #tpu.pipeline_mode<synchronous>, transform_indices = @transform_5, window_bounds = array<i64: 128, 128>}, {pipeline_mode = #tpu.pipeline_mode<synchronous>, transform_indices = @transform_6, window_bounds = array<i64: 1, 128>}, {transform_indices = @transform_7, window_bounds = array<i64: 1000, 128>}]} {
    %get3A = arith.constant 0 : index
    %get3A_0 = arith.constant 0 : index
    %get3A_1 = vector.load %arg1[%get3A, %get3A_0] : memref<1000x128xf32, #tpu.memory_space<vmem>>, vector<1000x128xf32>
    %get3A_2 = arith.constant 0 : index
    %get3A_3 = arith.constant 0 : index
    %get3A_4 = vector.load %arg2[%get3A_2, %get3A_3] : memref<128x128xf32, #tpu.memory_space<vmem>>, vector<128x128xf32>
    %dot_general3A = arith.constant dense<0.000000e+00> : vector<1000x128xf32>
    %dot_general3A_5 = tpu.matmul %get3A_1, %get3A_4, %dot_general3A {dimension_numbers = #tpu.dot_dimension_numbers<[1], [0], [0], [1], [0, 0, 1, 1], [], []>, transpose_lhs_hint = false} : vector<1000x128xf32>, vector<128x128xf32>, vector<1000x128xf32> -> vector<1000x128xf32>
    %get3A_6 = arith.constant 0 : index
    %get3A_7 = arith.constant 0 : index
    %get3A_8 = vector.load %arg3[%get3A_6, %get3A_7] : memref<1x128xf32, #tpu.memory_space<vmem>>, vector<1x128xf32>
    %add3A = vector.broadcast %get3A_8 : vector<1x128xf32> to vector<1000x128xf32>
    %add3A_9 = arith.addf %dot_general3A_5, %add3A : vector<1000x128xf32>
    %get3A_10 = arith.constant 0 : index
    %get3A_11 = arith.constant 0 : index
    %get3A_12 = vector.load %arg4[%get3A_10, %get3A_11] : memref<1x128xf32, #tpu.memory_space<vmem>>, vector<1x128xf32>
    %get3A_13 = arith.constant 0 : index
    %get3A_14 = arith.constant 0 : index
    %get3A_15 = vector.load %arg5[%get3A_13, %get3A_14] : memref<1x128xf32, #tpu.memory_space<vmem>>, vector<1x128xf32>
    %reduce_sum3A = arith.constant dense<0.000000e+00> : vector<1000xf32>
    %reduce_sum3A_16 = vector.multi_reduction <add>, %add3A_9, %reduce_sum3A [1] : vector<1000x128xf32> to vector<1000xf32>
    %broadcast_in_dim3A = vector.shape_cast %reduce_sum3A_16 : vector<1000xf32> to vector<1000x1xf32>
    %div3A = arith.constant 1.280000e+02 : f32
    %div3A_17 = vector.broadcast %div3A : f32 to vector<1000x1xf32>
    %div3A_18 = arith.divf %broadcast_in_dim3A, %div3A_17 : vector<1000x1xf32>
    %sub3A = vector.broadcast %div3A_18 : vector<1000x1xf32> to vector<1000x128xf32>
    %sub3A_19 = arith.subf %add3A_9, %sub3A : vector<1000x128xf32>
    %integer_pow3A = arith.mulf %sub3A_19, %sub3A_19 : vector<1000x128xf32>
    %reduce_sum3A_20 = arith.constant dense<0.000000e+00> : vector<1000xf32>
    %reduce_sum3A_21 = vector.multi_reduction <add>, %integer_pow3A, %reduce_sum3A_20 [1] : vector<1000x128xf32> to vector<1000xf32>
    %broadcast_in_dim3A_22 = vector.shape_cast %reduce_sum3A_21 : vector<1000xf32> to vector<1000x1xf32>
    %div3A_23 = arith.constant 1.280000e+02 : f32
    %div3A_24 = vector.broadcast %div3A_23 : f32 to vector<1000x1xf32>
    %div3A_25 = arith.divf %broadcast_in_dim3A_22, %div3A_24 : vector<1000x1xf32>
    %sub3A_26 = vector.broadcast %div3A_18 : vector<1000x1xf32> to vector<1000x128xf32>
    %sub3A_27 = arith.subf %add3A_9, %sub3A_26 : vector<1000x128xf32>
    %add3A_28 = arith.constant 9.99999974E-6 : f32
    %add3A_29 = vector.broadcast %add3A_28 : f32 to vector<1000x1xf32>
    %add3A_30 = arith.addf %div3A_25, %add3A_29 : vector<1000x1xf32>
    %sqrt3A = math.sqrt %add3A_30 : vector<1000x1xf32>
    %div3A_31 = vector.broadcast %sqrt3A : vector<1000x1xf32> to vector<1000x128xf32>
    %div3A_32 = arith.divf %sub3A_27, %div3A_31 : vector<1000x128xf32>
    %mul3A = vector.broadcast %get3A_12 : vector<1x128xf32> to vector<1000x128xf32>
    %mul3A_33 = arith.mulf %div3A_32, %mul3A : vector<1000x128xf32>
    %add3A_34 = vector.broadcast %get3A_15 : vector<1x128xf32> to vector<1000x128xf32>
    %add3A_35 = arith.addf %mul3A_33, %add3A_34 : vector<1000x128xf32>
    %max3A = arith.constant 0.000000e+00 : f32
    %max3A_36 = vector.broadcast %max3A : f32 to vector<1000x128xf32>
    %max3A_37 = arith.maximumf %add3A_35, %max3A_36 : vector<1000x128xf32>
    %get3A_38 = arith.constant 0 : index
    %get3A_39 = arith.constant 0 : index
    %get3A_40 = vector.load %arg6[%get3A_38, %get3A_39] : memref<128x128xf32, #tpu.memory_space<vmem>>, vector<128x128xf32>
    %dot_general3A_41 = arith.constant dense<0.000000e+00> : vector<1000x128xf32>
    %dot_general3A_42 = tpu.matmul %max3A_37, %get3A_40, %dot_general3A_41 {dimension_numbers = #tpu.dot_dimension_numbers<[1], [0], [0], [1], [0, 0, 1, 1], [], []>, transpose_lhs_hint = false} : vector<1000x128xf32>, vector<128x128xf32>, vector<1000x128xf32> -> vector<1000x128xf32>
    %get3A_43 = arith.constant 0 : index
    %get3A_44 = arith.constant 0 : index
    %get3A_45 = vector.load %arg7[%get3A_43, %get3A_44] : memref<1x128xf32, #tpu.memory_space<vmem>>, vector<1x128xf32>
    %add3A_46 = vector.broadcast %get3A_45 : vector<1x128xf32> to vector<1000x128xf32>
    %add3A_47 = arith.addf %dot_general3A_42, %add3A_46 : vector<1000x128xf32>
    %swap3A = arith.constant 0 : index
    %swap3A_48 = arith.constant 0 : index
    %swap3A_49 = vector.load %arg8[%swap3A, %swap3A_48] : memref<1000x128xf32, #tpu.memory_space<vmem>>, vector<1000x128xf32>
    tpu.vector_store %arg8[%swap3A, %swap3A_48], %add3A_47 {strides = array<i32>} : memref<1000x128xf32, #tpu.memory_space<vmem>>, vector<1000x128xf32>,
    return
  }
  func.func @transform_0(%arg0: i32) -> (i32, i32) {
    %c0_i32 = arith.constant 0 : i32
    %c0_i32_0 = arith.constant 0 : i32
    return %arg0, %c0_i32 : i32, i32
  }
  func.func @transform_1(%arg0: i32) -> (i32, i32) {
    %c0_i32 = arith.constant 0 : i32
    %c0_i32_0 = arith.constant 0 : i32
    %c0_i32_1 = arith.constant 0 : i32
    return %c0_i32, %c0_i32_0 : i32, i32
  }
  func.func @transform_2(%arg0: i32) -> (i32, i32) {
    %c0_i32 = arith.constant 0 : i32
    %c0_i32_0 = arith.constant 0 : i32
    %c0_i32_1 = arith.constant 0 : i32
    return %c0_i32, %c0_i32_0 : i32, i32
  }
  func.func @transform_3(%arg0: i32) -> (i32, i32) {
    %c0_i32 = arith.constant 0 : i32
    %c0_i32_0 = arith.constant 0 : i32
    %c0_i32_1 = arith.constant 0 : i32
    return %c0_i32, %c0_i32_0 : i32, i32
  }
  func.func @transform_4(%arg0: i32) -> (i32, i32) {
    %c0_i32 = arith.constant 0 : i32
    %c0_i32_0 = arith.constant 0 : i32
    %c0_i32_1 = arith.constant 0 : i32
    return %c0_i32, %c0_i32_0 : i32, i32
  }
  func.func @transform_5(%arg0: i32) -> (i32, i32) {
    %c0_i32 = arith.constant 0 : i32
    %c0_i32_0 = arith.constant 0 : i32
    %c0_i32_1 = arith.constant 0 : i32
    return %c0_i32, %c0_i32_0 : i32, i32
  }
  func.func @transform_6(%arg0: i32) -> (i32, i32) {
    %c0_i32 = arith.constant 0 : i32
    %c0_i32_0 = arith.constant 0 : i32
    %c0_i32_1 = arith.constant 0 : i32
    return %c0_i32, %c0_i32_0 : i32, i32
  }
  func.func @transform_7(%arg0: i32) -> (i32, i32) {
    %c0_i32 = arith.constant 0 : i32
    %c0_i32_0 = arith.constant 0 : i32
    return %arg0, %c0_i32 : i32, i32
  }
}

module attributes {stable_mosaic.version = 14 : i64} {
  func.func @_edge_mlp_body(%arg0: i32, %arg1: memref<2x1000x128xf32, #tpu.memory_space<vmem>>, %arg2: memref<1000x1xf32, #tpu.memory_space<vmem>>, %arg3: memref<1000x16xf32, #tpu.memory_space<vmem>>, %arg4: memref<16x128xf32, #tpu.memory_space<vmem>>, %arg5: memref<128x128xf32, #tpu.memory_space<vmem>>, %arg6: memref<1x128xf32, #tpu.memory_space<vmem>>, %arg7: memref<1x128xf32, #tpu.memory_space<vmem>>, %arg8: memref<1x128xf32, #tpu.memory_space<vmem>>, %arg9: memref<128x128xf32, #tpu.memory_space<vmem>>, %arg10: memref<1x128xf32, #tpu.memory_space<vmem>>, %arg11: memref<1000x128xf32, #tpu.memory_space<vmem>>) attributes {dimension_semantics = [#tpu.dimension_semantics<arbitrary>], iteration_bounds = array<i64: 10>, scalar_prefetch = 0 : i64, scratch_operands = 0 : i64, tpu.core_type = #tpu.core_type<tc>, window_params = [{transform_indices = @transform_0, window_bounds = array<i64: 2, 1000, 128>}, {transform_indices = @transform_1, window_bounds = array<i64: 1000, 1>}, {transform_indices = @transform_2, window_bounds = array<i64: 1000, 16>}, {pipeline_mode = #tpu.pipeline_mode<synchronous>, transform_indices = @transform_3, window_bounds = array<i64: 16, 128>}, {pipeline_mode = #tpu.pipeline_mode<synchronous>, transform_indices = @transform_4, window_bounds = array<i64: 128, 128>}, {pipeline_mode = #tpu.pipeline_mode<synchronous>, transform_indices = @transform_5, window_bounds = array<i64: 1, 128>}, {pipeline_mode = #tpu.pipeline_mode<synchronous>, transform_indices = @transform_6, window_bounds = array<i64: 1, 128>}, {pipeline_mode = #tpu.pipeline_mode<synchronous>, transform_indices = @transform_7, window_bounds = array<i64: 1, 128>}, {pipeline_mode = #tpu.pipeline_mode<synchronous>, transform_indices = @transform_8, window_bounds = array<i64: 128, 128>}, {pipeline_mode = #tpu.pipeline_mode<synchronous>, transform_indices = @transform_9, window_bounds = array<i64: 1, 128>}, {transform_indices = @transform_10, window_bounds = array<i64: 1000, 128>}]} {
    %get3A = arith.constant 0 : index
    %get3A_0 = arith.constant 0 : index
    %get3A_1 = arith.constant 0 : index
    %get3A_2 = vector.load %arg1[%get3A, %get3A_0, %get3A_1] : memref<2x1000x128xf32, #tpu.memory_space<vmem>>, vector<2x1000x128xf32>
    %slice3A = vector.extract_strided_slice %get3A_2 {offsets = [0, 0, 0], sizes = [1, 1000, 128], strides = [1, 1, 1]} : vector<2x1000x128xf32> to vector<1x1000x128xf32>
    %squeeze3A = vector.shape_cast %slice3A : vector<1x1000x128xf32> to vector<1000x128xf32>
    %slice3A_3 = vector.extract_strided_slice %get3A_2 {offsets = [1, 0, 0], sizes = [1, 1000, 128], strides = [1, 1, 1]} : vector<2x1000x128xf32> to vector<1x1000x128xf32>
    %squeeze3A_4 = vector.shape_cast %slice3A_3 : vector<1x1000x128xf32> to vector<1000x128xf32>
    %add3A = arith.addf %squeeze3A, %squeeze3A_4 : vector<1000x128xf32>
    %get3A_5 = arith.constant 0 : index
    %get3A_6 = arith.constant 0 : index
    %get3A_7 = vector.load %arg2[%get3A_5, %get3A_6] : memref<1000x1xf32, #tpu.memory_space<vmem>>, vector<1000x1xf32>
    %add3A_8 = arith.constant 9.99999997E-7 : f32
    %add3A_9 = vector.broadcast %add3A_8 : f32 to vector<1000x1xf32>
    %add3A_10 = arith.addf %get3A_7, %add3A_9 : vector<1000x1xf32>
    %div3A = vector.broadcast %add3A_10 : vector<1000x1xf32> to vector<1000x128xf32>
    %div3A_11 = arith.divf %add3A, %div3A : vector<1000x128xf32>
    %get3A_12 = arith.constant 0 : index
    %get3A_13 = arith.constant 0 : index
    %get3A_14 = vector.load %arg3[%get3A_12, %get3A_13] : memref<1000x16xf32, #tpu.memory_space<vmem>>, vector<1000x16xf32>
    %get3A_15 = arith.constant 0 : index
    %get3A_16 = arith.constant 0 : index
    %get3A_17 = vector.load %arg4[%get3A_15, %get3A_16] : memref<16x128xf32, #tpu.memory_space<vmem>>, vector<16x128xf32>
    %dot_general3A = arith.constant dense<0.000000e+00> : vector<1000x128xf32>
    %dot_general3A_18 = tpu.matmul %get3A_14, %get3A_17, %dot_general3A {dimension_numbers = #tpu.dot_dimension_numbers<[1], [0], [0], [1], [0, 0, 1, 1], [], []>, transpose_lhs_hint = false} : vector<1000x16xf32>, vector<16x128xf32>, vector<1000x128xf32> -> vector<1000x128xf32>
    %get3A_19 = arith.constant 0 : index
    %get3A_20 = arith.constant 0 : index
    %get3A_21 = vector.load %arg5[%get3A_19, %get3A_20] : memref<128x128xf32, #tpu.memory_space<vmem>>, vector<128x128xf32>
    %dot_general3A_22 = arith.constant dense<0.000000e+00> : vector<1000x128xf32>
    %dot_general3A_23 = tpu.matmul %div3A_11, %get3A_21, %dot_general3A_22 {dimension_numbers = #tpu.dot_dimension_numbers<[1], [0], [0], [1], [0, 0, 1, 1], [], []>, transpose_lhs_hint = false} : vector<1000x128xf32>, vector<128x128xf32>, vector<1000x128xf32> -> vector<1000x128xf32>
    %add3A_24 = arith.addf %dot_general3A_18, %dot_general3A_23 : vector<1000x128xf32>
    %get3A_25 = arith.constant 0 : index
    %get3A_26 = arith.constant 0 : index
    %get3A_27 = vector.load %arg6[%get3A_25, %get3A_26] : memref<1x128xf32, #tpu.memory_space<vmem>>, vector<1x128xf32>
    %add3A_28 = vector.broadcast %get3A_27 : vector<1x128xf32> to vector<1000x128xf32>
    %add3A_29 = arith.addf %add3A_24, %add3A_28 : vector<1000x128xf32>
    %get3A_30 = arith.constant 0 : index
    %get3A_31 = arith.constant 0 : index
    %get3A_32 = vector.load %arg7[%get3A_30, %get3A_31] : memref<1x128xf32, #tpu.memory_space<vmem>>, vector<1x128xf32>
    %get3A_33 = arith.constant 0 : index
    %get3A_34 = arith.constant 0 : index
    %get3A_35 = vector.load %arg8[%get3A_33, %get3A_34] : memref<1x128xf32, #tpu.memory_space<vmem>>, vector<1x128xf32>
    %reduce_sum3A = arith.constant dense<0.000000e+00> : vector<1000xf32>
    %reduce_sum3A_36 = vector.multi_reduction <add>, %add3A_29, %reduce_sum3A [1] : vector<1000x128xf32> to vector<1000xf32>
    %broadcast_in_dim3A = vector.shape_cast %reduce_sum3A_36 : vector<1000xf32> to vector<1000x1xf32>
    %div3A_37 = arith.constant 1.280000e+02 : f32
    %div3A_38 = vector.broadcast %div3A_37 : f32 to vector<1000x1xf32>
    %div3A_39 = arith.divf %broadcast_in_dim3A, %div3A_38 : vector<1000x1xf32>
    %sub3A = vector.broadcast %div3A_39 : vector<1000x1xf32> to vector<1000x128xf32>
    %sub3A_40 = arith.subf %add3A_29, %sub3A : vector<1000x128xf32>
    %integer_pow3A = arith.mulf %sub3A_40, %sub3A_40 : vector<1000x128xf32>
    %reduce_sum3A_41 = arith.constant dense<0.000000e+00> : vector<1000xf32>
    %reduce_sum3A_42 = vector.multi_reduction <add>, %integer_pow3A, %reduce_sum3A_41 [1] : vector<1000x128xf32> to vector<1000xf32>
    %broadcast_in_dim3A_43 = vector.shape_cast %reduce_sum3A_42 : vector<1000xf32> to vector<1000x1xf32>
    %div3A_44 = arith.constant 1.280000e+02 : f32
    %div3A_45 = vector.broadcast %div3A_44 : f32 to vector<1000x1xf32>
    %div3A_46 = arith.divf %broadcast_in_dim3A_43, %div3A_45 : vector<1000x1xf32>
    %sub3A_47 = vector.broadcast %div3A_39 : vector<1000x1xf32> to vector<1000x128xf32>
    %sub3A_48 = arith.subf %add3A_29, %sub3A_47 : vector<1000x128xf32>
    %add3A_49 = arith.constant 9.99999974E-6 : f32
    %add3A_50 = vector.broadcast %add3A_49 : f32 to vector<1000x1xf32>
    %add3A_51 = arith.addf %div3A_46, %add3A_50 : vector<1000x1xf32>
    %sqrt3A = math.sqrt %add3A_51 : vector<1000x1xf32>
    %div3A_52 = vector.broadcast %sqrt3A : vector<1000x1xf32> to vector<1000x128xf32>
    %div3A_53 = arith.divf %sub3A_48, %div3A_52 : vector<1000x128xf32>
    %mul3A = vector.broadcast %get3A_32 : vector<1x128xf32> to vector<1000x128xf32>
    %mul3A_54 = arith.mulf %div3A_53, %mul3A : vector<1000x128xf32>
    %add3A_55 = vector.broadcast %get3A_35 : vector<1x128xf32> to vector<1000x128xf32>
    %add3A_56 = arith.addf %mul3A_54, %add3A_55 : vector<1000x128xf32>
    %max3A = arith.constant 0.000000e+00 : f32
    %max3A_57 = vector.broadcast %max3A : f32 to vector<1000x128xf32>
    %max3A_58 = arith.maximumf %add3A_56, %max3A_57 : vector<1000x128xf32>
    %get3A_59 = arith.constant 0 : index
    %get3A_60 = arith.constant 0 : index
    %get3A_61 = vector.load %arg9[%get3A_59, %get3A_60] : memref<128x128xf32, #tpu.memory_space<vmem>>, vector<128x128xf32>
    %dot_general3A_62 = arith.constant dense<0.000000e+00> : vector<1000x128xf32>
    %dot_general3A_63 = tpu.matmul %max3A_58, %get3A_61, %dot_general3A_62 {dimension_numbers = #tpu.dot_dimension_numbers<[1], [0], [0], [1], [0, 0, 1, 1], [], []>, transpose_lhs_hint = false} : vector<1000x128xf32>, vector<128x128xf32>, vector<1000x128xf32> -> vector<1000x128xf32>
    %get3A_64 = arith.constant 0 : index
    %get3A_65 = arith.constant 0 : index
    %get3A_66 = vector.load %arg10[%get3A_64, %get3A_65] : memref<1x128xf32, #tpu.memory_space<vmem>>, vector<1x128xf32>
    %add3A_67 = vector.broadcast %get3A_66 : vector<1x128xf32> to vector<1000x128xf32>
    %add3A_68 = arith.addf %dot_general3A_63, %add3A_67 : vector<1000x128xf32>
    %max3A_69 = arith.constant 0.000000e+00 : f32
    %max3A_70 = vector.broadcast %max3A_69 : f32 to vector<1000x128xf32>
    %max3A_71 = arith.maximumf %add3A_68, %max3A_70 : vector<1000x128xf32>
    %swap3A = arith.constant 0 : index
    %swap3A_72 = arith.constant 0 : index
    %swap3A_73 = vector.load %arg11[%swap3A, %swap3A_72] : memref<1000x128xf32, #tpu.memory_space<vmem>>, vector<1000x128xf32>
    tpu.vector_store %arg11[%swap3A, %swap3A_72], %max3A_71 {strides = array<i32>} : memref<1000x128xf32, #tpu.memory_space<vmem>>, vector<1000x128xf32>,
    return
  }
  func.func @transform_0(%arg0: i32) -> (i32, i32, i32) {
    %c0_i32 = arith.constant 0 : i32
    %c0_i32_0 = arith.constant 0 : i32
    %c0_i32_1 = arith.constant 0 : i32
    return %c0_i32, %arg0, %c0_i32_0 : i32, i32, i32
  }
  func.func @transform_1(%arg0: i32) -> (i32, i32) {
    %c0_i32 = arith.constant 0 : i32
    %c0_i32_0 = arith.constant 0 : i32
    return %arg0, %c0_i32 : i32, i32
  }
  func.func @transform_2(%arg0: i32) -> (i32, i32) {
    %c0_i32 = arith.constant 0 : i32
    %c0_i32_0 = arith.constant 0 : i32
    return %arg0, %c0_i32 : i32, i32
  }
  func.func @transform_3(%arg0: i32) -> (i32, i32) {
    %c0_i32 = arith.constant 0 : i32
    %c0_i32_0 = arith.constant 0 : i32
    %c0_i32_1 = arith.constant 0 : i32
    return %c0_i32, %c0_i32_0 : i32, i32
  }
  func.func @transform_4(%arg0: i32) -> (i32, i32) {
    %c0_i32 = arith.constant 0 : i32
    %c0_i32_0 = arith.constant 0 : i32
    %c0_i32_1 = arith.constant 0 : i32
    return %c0_i32, %c0_i32_0 : i32, i32
  }
  func.func @transform_5(%arg0: i32) -> (i32, i32) {
    %c0_i32 = arith.constant 0 : i32
    %c0_i32_0 = arith.constant 0 : i32
    %c0_i32_1 = arith.constant 0 : i32
    return %c0_i32, %c0_i32_0 : i32, i32
  }
  func.func @transform_6(%arg0: i32) -> (i32, i32) {
    %c0_i32 = arith.constant 0 : i32
    %c0_i32_0 = arith.constant 0 : i32
    %c0_i32_1 = arith.constant 0 : i32
    return %c0_i32, %c0_i32_0 : i32, i32
  }
  func.func @transform_7(%arg0: i32) -> (i32, i32) {
    %c0_i32 = arith.constant 0 : i32
    %c0_i32_0 = arith.constant 0 : i32
    %c0_i32_1 = arith.constant 0 : i32
    return %c0_i32, %c0_i32_0 : i32, i32
  }
  func.func @transform_8(%arg0: i32) -> (i32, i32) {
    %c0_i32 = arith.constant 0 : i32
    %c0_i32_0 = arith.constant 0 : i32
    %c0_i32_1 = arith.constant 0 : i32
    return %c0_i32, %c0_i32_0 : i32, i32
  }
  func.func @transform_9(%arg0: i32) -> (i32, i32) {
    %c0_i32 = arith.constant 0 : i32
    %c0_i32_0 = arith.constant 0 : i32
    %c0_i32_1 = arith.constant 0 : i32
    return %c0_i32, %c0_i32_0 : i32, i32
  }
  func.func @transform_10(%arg0: i32) -> (i32, i32) {
    %c0_i32 = arith.constant 0 : i32
    %c0_i32_0 = arith.constant 0 : i32
    return %arg0, %c0_i32 : i32, i32
  }
}

module attributes {stable_mosaic.version = 14 : i64} {
  func.func @_final_body(%arg0: i32, %arg1: memref<1000x128xf32, #tpu.memory_space<vmem>>, %arg2: memref<2x1000x128xf32, #tpu.memory_space<vmem>>, %arg3: memref<2x1000x1xf32, #tpu.memory_space<vmem>>, %arg4: memref<1x128xf32, #tpu.memory_space<vmem>>, %arg5: memref<1x128xf32, #tpu.memory_space<vmem>>, %arg6: memref<1000x128xf32, #tpu.memory_space<vmem>>) attributes {dimension_semantics = [#tpu.dimension_semantics<arbitrary>], iteration_bounds = array<i64: 10>, scalar_prefetch = 0 : i64, scratch_operands = 0 : i64, tpu.core_type = #tpu.core_type<tc>, window_params = [{transform_indices = @transform_0, window_bounds = array<i64: 1000, 128>}, {transform_indices = @transform_1, window_bounds = array<i64: 2, 1000, 128>}, {transform_indices = @transform_2, window_bounds = array<i64: 2, 1000, 1>}, {pipeline_mode = #tpu.pipeline_mode<synchronous>, transform_indices = @transform_3, window_bounds = array<i64: 1, 128>}, {pipeline_mode = #tpu.pipeline_mode<synchronous>, transform_indices = @transform_4, window_bounds = array<i64: 1, 128>}, {transform_indices = @transform_5, window_bounds = array<i64: 1000, 128>}]} {
    %get3A = arith.constant 0 : index
    %get3A_0 = arith.constant 0 : index
    %get3A_1 = arith.constant 0 : index
    %get3A_2 = vector.load %arg2[%get3A, %get3A_0, %get3A_1] : memref<2x1000x128xf32, #tpu.memory_space<vmem>>, vector<2x1000x128xf32>
    %get3A_3 = arith.constant 0 : index
    %get3A_4 = arith.constant 0 : index
    %get3A_5 = arith.constant 0 : index
    %get3A_6 = vector.load %arg3[%get3A_3, %get3A_4, %get3A_5] : memref<2x1000x1xf32, #tpu.memory_space<vmem>>, vector<2x1000x1xf32>
    %slice3A = vector.extract_strided_slice %get3A_2 {offsets = [0, 0, 0], sizes = [1, 1000, 128], strides = [1, 1, 1]} : vector<2x1000x128xf32> to vector<1x1000x128xf32>
    %squeeze3A = vector.shape_cast %slice3A : vector<1x1000x128xf32> to vector<1000x128xf32>
    %slice3A_7 = vector.extract_strided_slice %get3A_2 {offsets = [1, 0, 0], sizes = [1, 1000, 128], strides = [1, 1, 1]} : vector<2x1000x128xf32> to vector<1x1000x128xf32>
    %squeeze3A_8 = vector.shape_cast %slice3A_7 : vector<1x1000x128xf32> to vector<1000x128xf32>
    %add3A = arith.addf %squeeze3A, %squeeze3A_8 : vector<1000x128xf32>
    %slice3A_9 = vector.extract_strided_slice %get3A_6 {offsets = [0, 0, 0], sizes = [1, 1000, 1], strides = [1, 1, 1]} : vector<2x1000x1xf32> to vector<1x1000x1xf32>
    %squeeze3A_10 = vector.shape_cast %slice3A_9 : vector<1x1000x1xf32> to vector<1000x1xf32>
    %slice3A_11 = vector.extract_strided_slice %get3A_6 {offsets = [1, 0, 0], sizes = [1, 1000, 1], strides = [1, 1, 1]} : vector<2x1000x1xf32> to vector<1x1000x1xf32>
    %squeeze3A_12 = vector.shape_cast %slice3A_11 : vector<1x1000x1xf32> to vector<1000x1xf32>
    %add3A_13 = arith.addf %squeeze3A_10, %squeeze3A_12 : vector<1000x1xf32>
    %add3A_14 = arith.constant 9.99999997E-7 : f32
    %add3A_15 = vector.broadcast %add3A_14 : f32 to vector<1000x1xf32>
    %add3A_16 = arith.addf %add3A_13, %add3A_15 : vector<1000x1xf32>
    %div3A = vector.broadcast %add3A_16 : vector<1000x1xf32> to vector<1000x128xf32>
    %div3A_17 = arith.divf %add3A, %div3A : vector<1000x128xf32>
    %get3A_18 = arith.constant 0 : index
    %get3A_19 = arith.constant 0 : index
    %get3A_20 = vector.load %arg1[%get3A_18, %get3A_19] : memref<1000x128xf32, #tpu.memory_space<vmem>>, vector<1000x128xf32>
    %get3A_21 = arith.constant 0 : index
    %get3A_22 = arith.constant 0 : index
    %get3A_23 = vector.load %arg4[%get3A_21, %get3A_22] : memref<1x128xf32, #tpu.memory_space<vmem>>, vector<1x128xf32>
    %get3A_24 = arith.constant 0 : index
    %get3A_25 = arith.constant 0 : index
    %get3A_26 = vector.load %arg5[%get3A_24, %get3A_25] : memref<1x128xf32, #tpu.memory_space<vmem>>, vector<1x128xf32>
    %reduce_sum3A = arith.constant dense<0.000000e+00> : vector<1000xf32>
    %reduce_sum3A_27 = vector.multi_reduction <add>, %div3A_17, %reduce_sum3A [1] : vector<1000x128xf32> to vector<1000xf32>
    %broadcast_in_dim3A = vector.shape_cast %reduce_sum3A_27 : vector<1000xf32> to vector<1000x1xf32>
    %div3A_28 = arith.constant 1.280000e+02 : f32
    %div3A_29 = vector.broadcast %div3A_28 : f32 to vector<1000x1xf32>
    %div3A_30 = arith.divf %broadcast_in_dim3A, %div3A_29 : vector<1000x1xf32>
    %sub3A = vector.broadcast %div3A_30 : vector<1000x1xf32> to vector<1000x128xf32>
    %sub3A_31 = arith.subf %div3A_17, %sub3A : vector<1000x128xf32>
    %integer_pow3A = arith.mulf %sub3A_31, %sub3A_31 : vector<1000x128xf32>
    %reduce_sum3A_32 = arith.constant dense<0.000000e+00> : vector<1000xf32>
    %reduce_sum3A_33 = vector.multi_reduction <add>, %integer_pow3A, %reduce_sum3A_32 [1] : vector<1000x128xf32> to vector<1000xf32>
    %broadcast_in_dim3A_34 = vector.shape_cast %reduce_sum3A_33 : vector<1000xf32> to vector<1000x1xf32>
    %div3A_35 = arith.constant 1.280000e+02 : f32
    %div3A_36 = vector.broadcast %div3A_35 : f32 to vector<1000x1xf32>
    %div3A_37 = arith.divf %broadcast_in_dim3A_34, %div3A_36 : vector<1000x1xf32>
    %sub3A_38 = vector.broadcast %div3A_30 : vector<1000x1xf32> to vector<1000x128xf32>
    %sub3A_39 = arith.subf %div3A_17, %sub3A_38 : vector<1000x128xf32>
    %add3A_40 = arith.constant 9.99999974E-6 : f32
    %add3A_41 = vector.broadcast %add3A_40 : f32 to vector<1000x1xf32>
    %add3A_42 = arith.addf %div3A_37, %add3A_41 : vector<1000x1xf32>
    %sqrt3A = math.sqrt %add3A_42 : vector<1000x1xf32>
    %div3A_43 = vector.broadcast %sqrt3A : vector<1000x1xf32> to vector<1000x128xf32>
    %div3A_44 = arith.divf %sub3A_39, %div3A_43 : vector<1000x128xf32>
    %mul3A = vector.broadcast %get3A_23 : vector<1x128xf32> to vector<1000x128xf32>
    %mul3A_45 = arith.mulf %div3A_44, %mul3A : vector<1000x128xf32>
    %add3A_46 = vector.broadcast %get3A_26 : vector<1x128xf32> to vector<1000x128xf32>
    %add3A_47 = arith.addf %mul3A_45, %add3A_46 : vector<1000x128xf32>
    %add3A_48 = arith.addf %get3A_20, %add3A_47 : vector<1000x128xf32>
    %swap3A = arith.constant 0 : index
    %swap3A_49 = arith.constant 0 : index
    %swap3A_50 = vector.load %arg6[%swap3A, %swap3A_49] : memref<1000x128xf32, #tpu.memory_space<vmem>>, vector<1000x128xf32>
    tpu.vector_store %arg6[%swap3A, %swap3A_49], %add3A_48 {strides = array<i32>} : memref<1000x128xf32, #tpu.memory_space<vmem>>, vector<1000x128xf32>,
    return
  }
  func.func @transform_0(%arg0: i32) -> (i32, i32) {
    %c0_i32 = arith.constant 0 : i32
    %c0_i32_0 = arith.constant 0 : i32
    return %arg0, %c0_i32 : i32, i32
  }
  func.func @transform_1(%arg0: i32) -> (i32, i32, i32) {
    %c0_i32 = arith.constant 0 : i32
    %c0_i32_0 = arith.constant 0 : i32
    %c0_i32_1 = arith.constant 0 : i32
    return %c0_i32, %arg0, %c0_i32_0 : i32, i32, i32
  }
  func.func @transform_2(%arg0: i32) -> (i32, i32, i32) {
    %c0_i32 = arith.constant 0 : i32
    %c0_i32_0 = arith.constant 0 : i32
    %c0_i32_1 = arith.constant 0 : i32
    return %c0_i32, %arg0, %c0_i32_0 : i32, i32, i32
  }
  func.func @transform_3(%arg0: i32) -> (i32, i32) {
    %c0_i32 = arith.constant 0 : i32
    %c0_i32_0 = arith.constant 0 : i32
    %c0_i32_1 = arith.constant 0 : i32
    return %c0_i32, %c0_i32_0 : i32, i32
  }
  func.func @transform_4(%arg0: i32) -> (i32, i32) {
    %c0_i32 = arith.constant 0 : i32
    %c0_i32_0 = arith.constant 0 : i32
    %c0_i32_1 = arith.constant 0 : i32
    return %c0_i32, %c0_i32_0 : i32, i32
  }
  func.func @transform_5(%arg0: i32) -> (i32, i32) {
    %c0_i32 = arith.constant 0 : i32
    %c0_i32_0 = arith.constant 0 : i32
    return %arg0, %c0_i32 : i32, i32
  }
}

</mosaic_0001>

<sc_bundles>
// kernel: kernel.10.cloned.1.call-start
scs
__scs_entry_jumppad:
0x0: {  	(pc) =	sbr.rel $0x88, $3  }
0x1: {  	(tag) =	ssettag $0x0;
	lr =	simm.s32 $0x1  }
0x2: {  	[smem:$0x3F8F] =	sst lr;
	_ =	strace $0xD0000000  }
0x3: {  	_ = 	snop  }
0x4: {  	_ = 	snop  }
0x5: {  	_ = 	snop  }
0x6: {  	_ = 	snop  }
0x7: {  	_ = 	snop  }
__scs_overlays_trampoline_lowered:
0x8: {  	[smem:$0x3F9E] =	sst s0  }
0x9: {  	[smem:$0x3F9F] =	sst s1  }
0xa: {  	[smem:$0x3FA0] =	sst s2  }
0xb: {  	[smem:$0x3FA1] =	sst s3  }
0xc: {  	[smem:$0x3FA2] =	sst s4  }
0xd: {  	[smem:$0x3FA3] =	sst s5  }
0xe: {  	[smem:$0x3FA4] =	sst s6  }
0xf: {  	[smem:$0x3FA5] =	sst s7  }
0x10: {  	[smem:$0x3FA6] =	sst s8  }
0x11: {  	[smem:$0x3FA7] =	sst s9;
	s0 =	simm.s32 @!p0 $0x0  }
0x12: {  	s1 =	sld [smem:$0x3F8D];
	s0 =	simm.s32 @p0 $0x1  }
0x13: {  	[smem:$0x3FA8] =	sst s0;
	s0 =	simm.s32 @!p1 $0x0  }
0x14: {  	s2 =	sld [smem:$0x3F8C];
	s0 =	simm.s32 @p1 $0x1  }
0x15: {  	[smem:$0x3FA9] =	sst s0;
	s0 =	simm.s32 @!p2 $0x0  }
0x16: {  	s3 =	sld [smem:$0x3FDB];
	s0 =	simm.s32 @p2 $0x1  }
0x17: {  	s4 =	simm.s32 $0x1BF5;
	[smem:$0x3FAB] =	sst s0  }
0x18: {  	s0 =	sld [smem:$0x3F8E];
	_ =	swait.ge [sflag:s4], $0x0  }
0x19: {  	s7 =	sld [smem:$0x3F8F]  }
0x1a: {  	s8 =	sadd.s32 $0xFFFFE003, lr  }
0x1b: {  	s9 =	sadd.s32 $0xFFFFFEF7, lr;
	s5 =	simm.s32 $0xFFFFFFFF;
	p2 =	slt.u32 s8, $0xFFFFF086  }
0x1c: {  	p1 =	slt.u32 s9, $0xF7A;
	s5 =	simm.s32 @!p2 $0x0  }
0x1d: {  	s5 =	simm.s32 @p1 $0x1;
	p0 =	seq.s32 s7, s2  }
0x1e: {  	s7 =	smul.u32 @!p0 $0xF7A, s2;
	p2 =	seq.s32 @!p0 s5, $0x0  }
0x1f: {  	s9 =	smul.u32 $0xF7A, s1;
	s8 =	simm.s32 @!p0 $0x1BF5;
	p2 =	por !p2, p0  }
0x20: {  	[sflag:s8] =	ssyncset.s32 @!p0 $0xFFFFF086;
	s6 =	sadd.s32 @!p0 s3, s7;
	s7 =	simm.s32 @!p0 $0x108  }
0x21: {  	s3 =	sadd.s32 s3, s9;
	s6 =	sadd.s32 @!p0 $0x88, s6;
	s7 =	simm.s32 @p2 $0x1082  }
0x22: {  	[simem:s7], [sflag:s8] =	dma.local @!p0 [hbm:s6], $0xF7A  }
0x23: {  	s9 =	sor.u32 $0xD0000000, s2;
	s6 =	simm.s32 $0x108;
	_ =	swait.ge @!p0 [sflag:s8], $0x0  }
0x24: {  	s3 =	sadd.s32 $0x88, s3;
	s6 =	simm.s32 @!p1 $0x1082;
	[sflag:s4] =	ssyncset.s32 $0xFFFFF086  }
0x25: {  	[simem:s6], [sflag:s4] =	dma.local [hbm:s3], $0xF7A  }
0x26: {  	[smem:$0x3F8F] =	sst s1;
	(tag) =	ssettag s2;
	_ =	strace s9  }
0x27: {  	s1 =	sld [smem:$0x3F9F]  }
0x28: {  	s2 =	sld [smem:$0x3FA0]  }
0x29: {  	s4 =	sld [smem:$0x3FA2]  }
0x2a: {  	p0 =	seq.s32 s5, $0x0;
	s5 =	sld [smem:$0x3FA3]  }
0x2b: {  	s6 =	sld [smem:$0x3FA4]  }
0x2c: {  	s7 =	sld [smem:$0x3FA5]  }
0x2d: {  	s3 =	simm.s32 $0x108;
	s8 =	sld [smem:$0x3FA6]  }
0x2e: {  	s3 =	simm.s32 @!p0 $0x1082;
	s9 =	sld [smem:$0x3FA7]  }
0x2f: {  	lr =	sadd.s32 s0, s3;
	s0 =	sld [smem:$0x3F9E]  }
0x30: {  	s3 =	sld [smem:$0x3FA1]  }
0x31: {  	[smem:$0x3FAA] =	sst s10  }
0x32: {  	s10 =	sld [smem:$0x3FA8];
	_ =	sdelay $0x3  }
0x33: {  	p0 =	seq.s32 s10, $0x1;
	s10 =	sld [smem:$0x3FAA];
	_ =	sdelay $0x3  }
0x34: {  	[smem:$0x3FAA] =	sst s10  }
0x35: {  	s10 =	sld [smem:$0x3FA9];
	_ =	sdelay $0x3  }
0x36: {  	p1 =	seq.s32 s10, $0x1;
	s10 =	sld [smem:$0x3FAA];
	_ =	sdelay $0x3  }
0x37: {  	[smem:$0x3FAA] =	sst s10  }
0x38: {  	s10 =	sld [smem:$0x3FAB]  }
0x39: {  	_ = 	snop;
	(pc) =	sbr.ind lr, $3  }
0x3a: {  	_ = 	snop  }
0x3b: {  	_ = 	snop  }
0x3c: {  	p2 =	seq.s32 s10, $0x1;
	s10 =	sld [smem:$0x3FAA]  }
0x3d: {  	_ =	shalt  }
0x3e: {  	_ =	shalt  }
0x3f: {  	_ =	shalt  }
0x40: {  	_ =	shalt  }
0x41: {  	_ =	shalt  }
0x42: {  	_ =	shalt  }
0x43: {  	_ =	shalt  }
0x44: {  	_ =	shalt  }
0x45: {  	_ =	shalt  }
0x46: {  	_ =	shalt  }
0x47: {  	_ =	shalt  }
0x48: {  	_ =	shalt  }
0x49: {  	_ =	shalt  }
0x4a: {  	_ =	shalt  }
0x4b: {  	_ =	shalt  }
0x4c: {  	_ =	shalt  }
0x4d: {  	_ =	shalt  }
0x4e: {  	_ =	shalt  }
0x4f: {  	_ =	shalt  }
0x50: {  	_ =	shalt  }
0x51: {  	_ =	shalt  }
0x52: {  	_ =	shalt  }
0x53: {  	_ =	shalt  }
0x54: {  	_ =	shalt  }
0x55: {  	_ =	shalt  }
0x56: {  	_ =	shalt  }
0x57: {  	_ =	shalt  }
0x58: {  	_ =	shalt  }
0x59: {  	_ =	shalt  }
0x5a: {  	_ =	shalt  }
0x5b: {  	_ =	shalt  }
0x5c: {  	_ =	shalt  }
0x5d: {  	_ =	shalt  }
0x5e: {  	_ =	shalt  }
0x5f: {  	_ =	shalt  }
0x60: {  	_ =	shalt  }
0x61: {  	_ =	shalt  }
0x62: {  	_ =	shalt  }
0x63: {  	_ =	shalt  }
0x64: {  	_ =	shalt  }
0x65: {  	_ =	shalt  }
0x66: {  	_ =	shalt  }
0x67: {  	_ =	shalt  }
0x68: {  	_ =	shalt  }
0x69: {  	_ =	shalt  }
0x6a: {  	_ =	shalt  }
0x6b: {  	_ =	shalt  }
0x6c: {  	_ =	shalt  }
0x6d: {  	_ =	shalt  }
0x6e: {  	_ =	shalt  }
0x6f: {  	_ =	shalt  }
0x70: {  	_ =	shalt  }
0x71: {  	_ =	shalt  }
0x72: {  	_ =	shalt  }
0x73: {  	_ =	shalt  }
0x74: {  	_ =	shalt  }
0x75: {  	_ =	shalt  }
0x76: {  	_ =	shalt  }
0x77: {  	_ =	shalt  }
0x78: {  	_ =	shalt  }
0x79: {  	_ =	shalt  }
0x7a: {  	_ =	shalt  }
0x7b: {  	_ =	shalt  }
0x7c: {  	_ =	shalt  }
0x7d: {  	_ =	shalt  }
0x7e: {  	_ =	shalt  }
0x7f: {  	_ =	shalt  }
0x80: {  	_ =	shalt  }
0x81: {  	_ =	shalt  }
0x82: {  	_ =	shalt  }
0x83: {  	_ =	shalt  }
0x84: {  	_ =	shalt  }
0x85: {  	_ =	shalt  }
0x86: {  	_ =	shalt  }
0x87: {  	_ =	shalt  }
.Lfunc_end0:
.L_simem_size_0:
called_computation.1_lowered:
.L_overlay_start_0:
0x88: {  	s2 =	sld [smem:$0x3FD9]  }
0x89: {  	s3 =	sld [smem:$0x3FFE];
	_ =	sdelay $0x1  }
0x8a: {  	s1 =	srdreg.scid  }
0x8b: {  	s0 =	sand.u32 $0x1, s1  }
0x8c: {  	s17 =	sshll.u32 s0, $0xA;
	s2 =	sadd.s32 s3, s2  }
0x8d: {  	s2 =	sadd.s32 s2, s17  }
0x8e: {  	[smem:$0x3FB6] =	sst s2  }
0x8f: {  	_ = 	snop  }
0x90: {  	s2 =	sld [smem:$0x3FD0];
	(tm) =	ssettm $0x1  }
0x91: {  	s18 =	sld [smem:$0x3FFB];
	_ =	sdelay $0x3  }
0x92: {  	_ =	strace s18  }
0x93: {  	s3 =	sld [smem:$0x3FFC];
	_ =	sdelay $0x3  }
0x94: {  	_ =	strace s3  }
0x95: {  	s3 =	sld [smem:$0x3FFD];
	_ =	sdelay $0x3  }
0x96: {  	_ =	strace s3  }
0x97: {  	_ =	strace $0x8FFFFFFF  }
0x98: {  	s19 =	sld [smem:$0x3FDB];
	_ =	sdelay $0x1  }
0x99: {  	s4 =	simm.s32 $_scs_section_size  }
0x9a: {  	s5 =	simm.s32 $_size__tile_overlayer_lowered;
	s6 =	simm.s32 $_tile_overlayer_lowered  }
0x9b: {  	s22 =	simm.s32 $0x1BFF;
	s21 =	sshll.u32 s6, $0x1;
	s3 =	sadd.s32 s4, s19  }
0x9c: {  	s7 =	simm.s32 $0x0;
	s20 =	sshll.u32 s5, $0x1;
	s5 =	sadd.s32 s21, s3  }
0x9d: {  	[timem:s7], [sflag:s22] =	dma.local [hbm:s5], s20  }
0x9e: {  	_ =	swait.ge [sflag:s22], s20  }
0x9f: {  	s4 =	ssub.s32 $0x0, s20;
	[sflag:s22] =	ssyncset.done $0x0  }
0xa0: {  	[sflag:s22] =	ssyncadd.s32 s4;
	_ =	sdelay $0x1  }
0xa1: {  	s23 =	simm.s32 $0x1B8B  }
0xa2: {  	_ =	swait.ge [sflag:s23], $0x1  }
0xa3: {  	[sflag:s23] =	ssyncset.done $0x0  }
0xa4: {  	s25 =	simm.s32 $0x1B8E;
	s24 =	sld [smem:$0x3FFE];
	[sflag:s23] =	ssyncadd.s32 $0xFFFFFFFF  }
0xa5: {  	s26 =	simm.s32 $execute0_lowered;
	[smem:$0x3FD2] =	sst s25  }
0xa6: {  	s5 =	sshll.u32 s26, $0x1;
	_ =	strace $0x80000049;
	[dreg:$0x1] =	wrdreg $0xFFFFFFFF  }
0xa7: {  	s28 =	simm.s32 $_size_execute0_lowered;
	s3 =	sadd.s32 s3, s5;
	[dreg:$0x0] =	wrdreg $0x0  }
0xa8: {  	s5 =	sshll.u32 s28, $0x1;
	[dreg:$0x2] =	wrdreg s3  }
0xa9: {  	[dreg:$0x3] =	wrdreg s5  }
0xaa: {  	[dreg:$0x4] =	wrdreg $0xC0  }
0xab: {  	_ =	task [dreg:s7], $0x5FFFF  }
0xac: {  	[dreg:$0x1] =	wrdreg $0xFFFFFFFF  }
0xad: {  	[dreg:$0x0] =	wrdreg $0x60  }
0xae: {  	[dreg:$0x2] =	wrdreg s2  }
0xaf: {  	[dreg:$0x3] =	wrdreg s24  }
0xb0: {  	[dreg:$0x4] =	wrdreg $0xA9000  }
0xb1: {  	[dreg:$0x5] =	wrdreg $0x1E9000  }
0xb2: {  	[dreg:$0x6] =	wrdreg $0x9  }
0xb3: {  	_ =	task.clear_ibuf [dreg:s7], $0x7FFFF;
	_ =	strace $0x90000049  }
0xb4: {  	s29 =	simm.s32 $0x9;
	_ =	strace $0x8000004B  }
0xb5: {  	_ =	swait.ge [sflag:s29], $0x1  }
0xb6: {  	[sflag:s29] =	ssyncadd.s32 $0xFFFFFFFF  }
0xb7: {  	_ =	strace $0x9000004B  }
0xb8: {  	_ =	sfence  }
0xb9: {  	s30 =	sld [smem:$0x0];
	_ =	sdelay $0x2  }
0xba: {  	s31 =	sshll.u32 s1, $0xD;
	s1 =	sshrl.u32 s1, $0x2  }
0xbb: {  	s3 =	sand.u32 $0x4000, s31;
	s1 =	sadd.s32 s1, s30  }
0xbc: {  	s0 =	sor.u32 s3, s0;
	s1 =	sshll.u32 s1, $0x11  }
0xbd: {  	s0 =	sor.u32 s1, s0  }
0xbe: {  	s0 =	sadd.s32 $0x8F2B, s0  }
0xbf: {  	[sflag:s0] =	ssyncadd.remote.s32 $0x1  }
0xc0: {  	_ =	sfence.sel $0xFFFF  }
0xc1: {  	[dreg:$0x0] =	wrdreg $0xFFFFFFFF;
	(pc) =	sbr.abs _section_cstart, $3  }
0xc2: {  	[dreg:$0x1] =	wrdreg $0xFFFFFFFF  }
0xc3: {  	_ =	task.clear_ibuf [dreg:s7], $0x2FFFF;
	_ =	strace $0x9FFFFFFF  }
0xc4: {  	(tm) =	ssettm $0x7FFFFFFF  }
0xc5: {  	_ =	shalt  }
tec
execute0_lowered:
.L_overlay_start_1:
0x0: {  	(tag) =	ssettag $0x1  }
0x1: {  	s0 =	rddreg [dreg:$0x0]  }
0x2: {  	s2 =	rddreg [dreg:$0x1]  }
0x3: {  	s1 =	srdreg.scid;
	s3 =	rddreg [dreg:$0x2]  }
0x4: {  	s7 =	stileid.u32;
	s4 =	rddreg [dreg:$0x3]  }
0x5: {  	s5 =	simm.s32 $0x0;
	s16 =	simm.s32 $0x2800;
	s17 =	simm.s32 $0xA800  }
0x6: {  	s18 =	simm.s32 $0x6800;
	s20 =	simm.s32 $0xA880;
	s21 =	simm.s32 $0x1  }
0x7: {  	s28 =	simm.s32 $0x2;
	s29 =	simm.s32 $0x4;
	s1 =	sand.u32 $0x1, s1  }
0x8: {  	[smem:$0x7FF] =	sst s5;
	s23 =	sadd.s32 $0x2B400, s2;
	s11 =	smul.u32 $0x50000, s7  }
0x9: {  	s24 =	sadd.s32 $0x3400, s2;
	s13 =	smul.u32 $0xA00, s7;
	s26 =	sshll.u32 s7, $0x6  }
0xa: {  	s22 =	smul.u32 $0x2800, s7;
	s8 =	sshll.u32 s1, $0x4;
	_ =	strace $0x8000004A  }
0xb: {  	s9 =	smul.u32 $0x28000, s1;
	[dreg:$0x5] =	wrdreg s23;
	s1 =	ssub.s32 $0x2, s1  }
0xc: {  	[dreg:$0x6] =	wrdreg s24;
	s24 =	smul.u32 $0xA0, s7;
	s6 =	sor.u32 s7, s8  }
0xd: {  	s12 =	sshrl.u32 s1, $0x1;
	s25 =	sshrl.u32 s11, $0x2;
	s30 =	sshrl.u32 s13, $0x2  }
0xe: {  	s13 =	simm.s32 $0x6;
	s6 =	smul.u32 $0x500, s6;
	s14 =	sadd.s32 s9, s2  }
0xf: {  	s1 =	ssub.s32 s1, s12;
	s31 =	sadd.s32 s25, s3;
	s15 =	sadd.s32 s30, s4  }
0x10: {  	s25 =	simm.s32 $0x1EB80;
	s23 =	sadd.s32 $0x2DC00, s14;
	s11 =	smax.u32 s1, $0x1  }
0x11: {  	s12 =	sshrl.u32 s31, $0x3;
	s14 =	sshrl.u32 s15, $0x3;
	s15 =	simm.s32 $0x80  }
0x12: {  	s10 =	sadd.s32 s6, s2;
	s2 =	sadd.s32 s8, s2;
	s8 =	sor.u32 $0x1C06, s26  }
0x13: {  	s22 =	sadd.s32 s22, s23;
	s23 =	simm.s32 $0x3;
	s26 =	simm.s32 $0x5  }
0x14: {  	s9 =	sadd.s32 $0x21400, s10;
	s10 =	sadd.s32 $0x17400, s10;
	s2 =	sadd.s32 $0x3600, s2  }
0x15: {  	v0 =	vimm.f32 $1.000000000e+00;
	s19 =	sadd.s32 $0x10, s10;
	s24 =	sadd.s32 s24, s2;
	s2 =	simm.s32 $0x0  }
.LBB2_1:
0x16: {  	s1 =	rddreg [dreg:$0x5]  }
0x17: {  	[spmem:s12], [sflag:s8] =	dma.local [hbm:s1], $0x2800  }
0x18: {  	_ =	swait.ge [sflag:s13], $0x2800  }
0x19: {  	[sflag:s13] =	ssyncset.done $0x0  }
0x1a: {  	s7 =	rddreg [dreg:$0x6];
	[sflag:s13] =	ssyncadd.s32 $0xFFFFD800  }
0x1b: {  	[spmem:s14], [sflag:s8] =	dma.local [hbm:s7], $0x50  }
0x1c: {  	_ =	swait.ge [sflag:s13], $0x50  }
0x1d: {  	[sflag:s13] =	ssyncset.done $0x0  }
0x1e: {  	[sflag:s13] =	ssyncadd.s32 $0xFFFFFFB0  }
0x1f: {  	[tilespmem:s5], [sflag:$0x6] =	stream.linear.gather [hbm4b:s9+s5], $0x2800, $0x38;
	[tilespmem:$0x1EC00] =	vst v63  }
0x20: {  	_ =	swait.ge [sflag:s13], $0x2800  }
0x21: {  	[sflag:s13] =	ssyncset.done $0x0  }
0x22: {  	[sflag:s13] =	ssyncadd.s32 $0xFFFFD800  }
0x23: {  	[tilespmem:$0x1EB80] =	vst v0  }
0x24: {  	[tilespmem:$0x1EB90] =	vst v0  }
0x25: {  	[tilespmem:$0x1EBA0] =	vst v0  }
0x26: {  	[tilespmem:$0x1EBB0] =	vst v0  }
0x27: {  	[tilespmem:$0x1EBC0] =	vst v0  }
0x28: {  	[tilespmem:$0x1EBD0] =	vst v0  }
0x29: {  	[tilespmem:$0x1EBE0] =	vst v0  }
0x2a: {  	[tilespmem:$0x1EBF0] =	vst v0  }
0x2b: {  	[bflag:$0x0] =	sbarrier.arrive $0xFFFF  }
0x2c: {  	[tilespmem:s16], [sflag:$0x1] =	stream.indirect.gather [hbm4b:s0+s15], $0x80, s5, s15, $0xb8;
	[tilespmem:$0x1EC00] =	vst v63  }
0x2d: {  	_ = 	snop  }
0x2e: {  	[tilespmem:s17], [sflag:$0x3] =	stream.linear.gather [hbm4b:s10+s5], $0x80, $0x38;
	[tilespmem:$0x1EC00] =	vst v63  }
0x2f: {  	_ = 	snop  }
0x30: {  	[tilespmem:s18], [sflag:$0x2] =	stream.indirect.gather [hbm4b:s0+s15], $0x80, s15, s15, $0xb8;
	[tilespmem:$0x1EC00] =	vst v63  }
0x31: {  	_ = 	snop  }
0x32: {  	[tilespmem:s20], [sflag:$0x4] =	stream.linear.gather [hbm4b:s19+s5], $0x80, $0x38;
	[tilespmem:$0x1EC00] =	vst v63  }
0x33: {  	_ =	swait.ge [sflag:s21], $0x4000  }
0x34: {  	[sflag:s21] =	ssyncset.done $0x0  }
0x35: {  	[sflag:s21] =	ssyncadd.s32 $0xFFFFC000  }
0x36: {  	_ =	swait.ge [sflag:s23], $0x80  }
0x37: {  	[sflag:s23] =	ssyncset.done $0x0  }
0x38: {  	[sflag:s23] =	ssyncadd.s32 $0xFFFFFF80  }
0x39: {  	[spmem:s3] =	stream.indirect.scatter.add.f32 [tilespmem:s16], [sflag:$0x5], $0x80, s17, s15, $0xb8;
	[tilespmem:$0x1EC00] =	vst v63  }
0x3a: {  	_ = 	snop  }
0x3b: {  	[spmem:s4] =	stream.indirect.scatter.add.f32 [tilespmem:s25], [sflag:$0x5], $0x1, s17, s15, $0xb8;
	[tilespmem:$0x1EC00] =	vst v63  }
0x3c: {  	_ =	swait.ge [sflag:s26], $0x4000  }
0x3d: {  	[sflag:s26] =	ssyncset.done $0x0  }
0x3e: {  	[sflag:s26] =	ssyncadd.s32 $0xFFFFC000  }
0x3f: {  	_ =	swait.ge [sflag:s26], $0x80  }
0x40: {  	[sflag:s26] =	ssyncset.done $0x0  }
0x41: {  	s30 =	simm.s32 $0x100;
	s1 =	sadd.s32 $0x30, s10;
	[sflag:s26] =	ssyncadd.s32 $0xFFFFFF80  }
0x42: {  	[tilespmem:s16], [sflag:$0x1] =	stream.indirect.gather [hbm4b:s0+s15], $0x80, s30, s15, $0xb8;
	[tilespmem:$0x1EC00] =	vst v63  }
0x43: {  	s30 =	sadd.s32 $0xFFFFFFF0, s1  }
0x44: {  	[tilespmem:s17], [sflag:$0x3] =	stream.linear.gather [hbm4b:s30+s5], $0x80, $0x38;
	[tilespmem:$0x1EC00] =	vst v63  }
0x45: {  	_ =	swait.ge [sflag:s28], $0x4000  }
0x46: {  	[sflag:s28] =	ssyncset.done $0x0  }
0x47: {  	[sflag:s28] =	ssyncadd.s32 $0xFFFFC000  }
0x48: {  	_ =	swait.ge [sflag:s29], $0x80  }
0x49: {  	[sflag:s29] =	ssyncset.done $0x0  }
0x4a: {  	[sflag:s29] =	ssyncadd.s32 $0xFFFFFF80  }
0x4b: {  	[spmem:s3] =	stream.indirect.scatter.add.f32 [tilespmem:s18], [sflag:$0x5], $0x80, s20, s15, $0xb8;
	[tilespmem:$0x1EC00] =	vst v63  }
0x4c: {  	_ = 	snop  }
0x4d: {  	[spmem:s4] =	stream.indirect.scatter.add.f32 [tilespmem:s25], [sflag:$0x5], $0x1, s20, s15, $0xb8;
	[tilespmem:$0x1EC00] =	vst v63  }
0x4e: {  	_ =	swait.ge [sflag:s26], $0x4000  }
0x4f: {  	[sflag:s26] =	ssyncset.done $0x0  }
0x50: {  	[sflag:s26] =	ssyncadd.s32 $0xFFFFC000  }
0x51: {  	_ =	swait.ge [sflag:s26], $0x80  }
0x52: {  	[sflag:s26] =	ssyncset.done $0x0  }
0x53: {  	s30 =	simm.s32 $0x180;
	[sflag:s26] =	ssyncadd.s32 $0xFFFFFF80  }
0x54: {  	[tilespmem:s18], [sflag:$0x2] =	stream.indirect.gather [hbm4b:s0+s15], $0x80, s30, s15, $0xb8;
	[tilespmem:$0x1EC00] =	vst v63  }
0x55: {  	s31 =	sadd.s32 $0x20, s1;
	s30 =	simm.s32 $0xFFFF6800  }
.LBB2_2:
0x56: {  	[tilespmem:s20], [sflag:$0x4] =	stream.linear.gather [hbm4b:s1+s5], $0x80, $0x38;
	[tilespmem:$0x1EC00] =	vst v63  }
0x57: {  	s6 =	smov.u32 s30;
	s1 =	smov.u32 s31  }
0x58: {  	p0 =	sne.s32 s30, $0xFFFFFC00;
	s30 =	sadd.s32 $0x400, s30;
	_ =	swait.ge [sflag:s21], $0x4000  }
0x59: {  	[sflag:s21] =	ssyncset.done $0x0  }
0x5a: {  	[sflag:s21] =	ssyncadd.s32 $0xFFFFC000  }
0x5b: {  	_ =	swait.ge [sflag:s23], $0x80  }
0x5c: {  	[sflag:s23] =	ssyncset.done $0x0  }
0x5d: {  	[sflag:s23] =	ssyncadd.s32 $0xFFFFFF80  }
0x5e: {  	[spmem:s3] =	stream.indirect.scatter.add.f32 [tilespmem:s16], [sflag:$0x5], $0x80, s17, s15, $0xb8;
	[tilespmem:$0x1EC00] =	vst v63  }
0x5f: {  	_ = 	snop  }
0x60: {  	[spmem:s4] =	stream.indirect.scatter.add.f32 [tilespmem:s25], [sflag:$0x5], $0x1, s17, s15, $0xb8;
	[tilespmem:$0x1EC00] =	vst v63  }
0x61: {  	_ =	swait.ge [sflag:s26], $0x4000  }
0x62: {  	[sflag:s26] =	ssyncset.done $0x0  }
0x63: {  	[sflag:s26] =	ssyncadd.s32 $0xFFFFC000  }
0x64: {  	_ =	swait.ge [sflag:s26], $0x80  }
0x65: {  	s6 =	sshra.s32 s6, $0x2;
	[sflag:s26] =	ssyncset.done $0x0  }
0x66: {  	s7 =	sadd.s32 $0x2800, s6;
	[sflag:s26] =	ssyncadd.s32 $0xFFFFFF80  }
0x67: {  	[tilespmem:s16], [sflag:$0x1] =	stream.indirect.gather [hbm4b:s0+s15], $0x80, s7, s15, $0xb8;
	[tilespmem:$0x1EC00] =	vst v63  }
0x68: {  	s7 =	sadd.s32 $0xFFFFFFF0, s31  }
0x69: {  	[tilespmem:s17], [sflag:$0x3] =	stream.linear.gather [hbm4b:s7+s5], $0x80, $0x38;
	[tilespmem:$0x1EC00] =	vst v63  }
0x6a: {  	_ =	swait.ge [sflag:s28], $0x4000  }
0x6b: {  	[sflag:s28] =	ssyncset.done $0x0  }
0x6c: {  	[sflag:s28] =	ssyncadd.s32 $0xFFFFC000  }
0x6d: {  	_ =	swait.ge [sflag:s29], $0x80  }
0x6e: {  	[sflag:s29] =	ssyncset.done $0x0  }
0x6f: {  	[sflag:s29] =	ssyncadd.s32 $0xFFFFFF80  }
0x70: {  	[spmem:s3] =	stream.indirect.scatter.add.f32 [tilespmem:s18], [sflag:$0x5], $0x80, s20, s15, $0xb8;
	[tilespmem:$0x1EC00] =	vst v63  }
0x71: {  	_ = 	snop  }
0x72: {  	[spmem:s4] =	stream.indirect.scatter.add.f32 [tilespmem:s25], [sflag:$0x5], $0x1, s20, s15, $0xb8;
	[tilespmem:$0x1EC00] =	vst v63  }
0x73: {  	_ =	swait.ge [sflag:s26], $0x4000  }
0x74: {  	[sflag:s26] =	ssyncset.done $0x0  }
0x75: {  	[sflag:s26] =	ssyncadd.s32 $0xFFFFC000  }
.Ltmp0:
0x76: {  	_ =	swait.ge [sflag:s26], $0x80;
	(pc) =	sbr.rel @p0 .LBB2_2-.Ltmp0, $4  }
0x77: {  	[sflag:s26] =	ssyncset.done $0x0  }
0x78: {  	s6 =	sadd.s32 $0x2880, s6;
	[sflag:s26] =	ssyncadd.s32 $0xFFFFFF80  }
0x79: {  	[tilespmem:s18], [sflag:$0x2] =	stream.indirect.gather [hbm4b:s0+s15], $0x80, s6, s15, $0xb8;
	[tilespmem:$0x1EC00] =	vst v63  }
0x7a: {  	s31 =	sadd.s32 $0x20, s31  }
0x7b: {  	[tilespmem:s20], [sflag:$0x4] =	stream.linear.gather [hbm4b:s1+s5], $0x80, $0x38;
	[tilespmem:$0x1EC00] =	vst v63  }
0x7c: {  	_ =	swait.ge [sflag:s21], $0x4000  }
0x7d: {  	[sflag:s21] =	ssyncset.done $0x0  }
0x7e: {  	[sflag:s21] =	ssyncadd.s32 $0xFFFFC000  }
0x7f: {  	_ =	swait.ge [sflag:s23], $0x80  }
0x80: {  	[sflag:s23] =	ssyncset.done $0x0  }
0x81: {  	[sflag:s23] =	ssyncadd.s32 $0xFFFFFF80  }
0x82: {  	[spmem:s3] =	stream.indirect.scatter.add.f32 [tilespmem:s16], [sflag:$0x5], $0x80, s17, s15, $0xb8;
	[tilespmem:$0x1EC00] =	vst v63  }
0x83: {  	_ = 	snop  }
0x84: {  	[spmem:s4] =	stream.indirect.scatter.add.f32 [tilespmem:s25], [sflag:$0x5], $0x1, s17, s15, $0xb8;
	[tilespmem:$0x1EC00] =	vst v63  }
0x85: {  	_ =	swait.ge [sflag:s26], $0x4000  }
0x86: {  	[sflag:s26] =	ssyncset.done $0x0  }
0x87: {  	[sflag:s26] =	ssyncadd.s32 $0xFFFFC000  }
0x88: {  	_ =	swait.ge [sflag:s26], $0x80  }
0x89: {  	[sflag:s26] =	ssyncset.done $0x0  }
0x8a: {  	[sflag:s26] =	ssyncadd.s32 $0xFFFFFF80  }
0x8b: {  	[tilespmem:s16], [sflag:$0x1] =	stream.indirect.gather [hbm4b:s0+s15], $0x80, s5, s15, $0xb8;
	[tilespmem:$0x1EC00] =	vst v63  }
0x8c: {  	_ = 	snop  }
0x8d: {  	[tilespmem:s17], [sflag:$0x3] =	stream.linear.gather [hbm4b:s10+s5], $0x80, $0x38;
	[tilespmem:$0x1EC00] =	vst v63  }
0x8e: {  	_ =	swait.ge [sflag:s28], $0x4000  }
0x8f: {  	[sflag:s28] =	ssyncset.done $0x0  }
0x90: {  	[sflag:s28] =	ssyncadd.s32 $0xFFFFC000  }
0x91: {  	_ =	swait.ge [sflag:s29], $0x80  }
0x92: {  	[sflag:s29] =	ssyncset.done $0x0  }
0x93: {  	[sflag:s29] =	ssyncadd.s32 $0xFFFFFF80  }
0x94: {  	[spmem:s3] =	stream.indirect.scatter.add.f32 [tilespmem:s18], [sflag:$0x5], $0x80, s20, s15, $0xb8;
	[tilespmem:$0x1EC00] =	vst v63  }
0x95: {  	_ = 	snop  }
0x96: {  	[spmem:s4] =	stream.indirect.scatter.add.f32 [tilespmem:s25], [sflag:$0x5], $0x1, s20, s15, $0xb8;
	[tilespmem:$0x1EC00] =	vst v63  }
0x97: {  	_ =	swait.ge [sflag:s26], $0x4000  }
0x98: {  	[sflag:s26] =	ssyncset.done $0x0  }
0x99: {  	[sflag:s26] =	ssyncadd.s32 $0xFFFFC000  }
0x9a: {  	_ =	swait.ge [sflag:s26], $0x80  }
0x9b: {  	[sflag:s26] =	ssyncset.done $0x0  }
0x9c: {  	[sflag:s26] =	ssyncadd.s32 $0xFFFFFF80  }
0x9d: {  	[tilespmem:s18], [sflag:$0x2] =	stream.indirect.gather [hbm4b:s0+s15], $0x80, s15, s15, $0xb8;
	[tilespmem:$0x1EC00] =	vst v63  }
0x9e: {  	_ = 	snop  }
0x9f: {  	[tilespmem:s20], [sflag:$0x4] =	stream.linear.gather [hbm4b:s19+s5], $0x80, $0x38;
	[tilespmem:$0x1EC00] =	vst v63  }
0xa0: {  	_ =	swait.ge [sflag:s21], $0x4000  }
0xa1: {  	[sflag:s21] =	ssyncset.done $0x0  }
0xa2: {  	[sflag:s21] =	ssyncadd.s32 $0xFFFFC000  }
0xa3: {  	_ =	swait.ge [sflag:s23], $0x80  }
0xa4: {  	[sflag:s23] =	ssyncset.done $0x0  }
0xa5: {  	[sflag:s23] =	ssyncadd.s32 $0xFFFFFF80  }
0xa6: {  	_ =	swait.ge [sflag:s28], $0x4000  }
0xa7: {  	[sflag:s28] =	ssyncset.done $0x0  }
0xa8: {  	[sflag:s28] =	ssyncadd.s32 $0xFFFFC000  }
0xa9: {  	_ =	swait.ge [sflag:s29], $0x80  }
0xaa: {  	[sflag:s29] =	ssyncset.done $0x0  }
0xab: {  	[sflag:s29] =	ssyncadd.s32 $0xFFFFFF80  }
0xac: {  	[bflag:$0x0] =	sbarrier.arrive $0xFFFF  }
0xad: {  	[hbm:s22], [sflag:s8] =	dma.local [spmem:s12], $0x2800  }
0xae: {  	s2 =	sadd.s32 $0x1, s2;
	_ =	swait.ge [sflag:s13], $0x2800  }
0xaf: {  	s31 =	simm.s32 $0x20;
	p0 =	sne.s32 s2, s11;
	[sflag:s13] =	ssyncset.done $0x0  }
.Ltmp1:
0xb0: {  	s6 =	simm.s32 $0x10;
	[sflag:s13] =	ssyncadd.s32 $0xFFFFD800;
	(pc) =	sbr.rel @p0 .LBB2_1-.Ltmp1, $4  }
0xb1: {  	[hbm:s24@s31], [sflag:s8] =	dma.strided [spmem:s14@s6], $0x50, s21, $0x10   }
0xb2: {  	_ =	swait.ge [sflag:s13], $0x50  }
0xb3: {  	[sflag:s13] =	ssyncset.done $0x0  }
0xb4: {  	[sflag:s13] =	ssyncadd.s32 $0xFFFFFFB0  }
0xb5: {  	_ =	sfence.sel $0x180000  }
0xb6: {  	[bflag:$0x0] =	sbarrier.arrive $0xFFFF  }
0xb7: {  	_ =	strace $0x9000004A  }
0xb8: {  	s0 =	stileid.u32;
	[bflag:$0x2] =	sbarrier.arrive $0xFFFF  }
0xb9: {  	p0 =	sne.s32 s0, $0x0;
	s0 =	rddreg [dreg:$0x4]  }
0xba: {  	s0 =	sadd.s32 @!p0 $0x100000, s0  }
0xbb: {  	[sflag:s0] =	ssyncadd.tile.s32 @!p0 $0x1;
	_ =	shalt  }
.Lfunc_end2:
_tile_overlayer_lowered:
.L_overlay_start_2:
0xbc: {  	(tag) =	ssettag $0x2  }
0xbd: {  	s0 =	rddreg [dreg:$0x0];
	s2 =	stileid.u32  }
0xbe: {  	s1 =	rddreg [dreg:$0x1];
	p0 =	sne.s32 s2, $0x0  }
0xbf: {  	s3 =	rddreg [dreg:$0x2];
	[bflag:$0x3] =	sbarrier.arrive $0xFFFF;
	s2 =	simm.s32 @!p0 $0x1C06  }
0xc0: {  	[timem:s3], [sflag:s2] =	dma.local @!p0 [hbm:s0], s1  }
0xc1: {  	s0 =	simm.s32 @!p0 $0x6  }
0xc2: {  	_ =	swait.ge @!p0 [sflag:s0], s1  }
0xc3: {  	s1 =	ssub.s32 @!p0 $0x0, s1;
	[sflag:s0] =	ssyncset.done @!p0 $0x0  }
0xc4: {  	[sflag:s0] =	ssyncadd.s32 @!p0 s1  }
0xc5: {  	[bflag:$0x3] =	sbarrier.arrive $0xFFFF  }
0xc6: {  	_ =	shalt  }

// kernel: kernel.7.cloned.1.call-start
scs
__scs_entry_jumppad:
0x0: {  	(pc) =	sbr.rel $0x88, $3  }
0x1: {  	(tag) =	ssettag $0x0;
	lr =	simm.s32 $0x1  }
0x2: {  	[smem:$0x3F8F] =	sst lr;
	_ =	strace $0xD0000000  }
0x3: {  	_ = 	snop  }
0x4: {  	_ = 	snop  }
0x5: {  	_ = 	snop  }
0x6: {  	_ = 	snop  }
0x7: {  	_ = 	snop  }
__scs_overlays_trampoline_lowered:
0x8: {  	[smem:$0x3F9E] =	sst s0  }
0x9: {  	[smem:$0x3F9F] =	sst s1  }
0xa: {  	[smem:$0x3FA0] =	sst s2  }
0xb: {  	[smem:$0x3FA1] =	sst s3  }
0xc: {  	[smem:$0x3FA2] =	sst s4  }
0xd: {  	[smem:$0x3FA3] =	sst s5  }
0xe: {  	[smem:$0x3FA4] =	sst s6  }
0xf: {  	[smem:$0x3FA5] =	sst s7  }
0x10: {  	[smem:$0x3FA6] =	sst s8  }
0x11: {  	[smem:$0x3FA7] =	sst s9;
	s0 =	simm.s32 @!p0 $0x0  }
0x12: {  	s1 =	sld [smem:$0x3F8D];
	s0 =	simm.s32 @p0 $0x1  }
0x13: {  	[smem:$0x3FA8] =	sst s0;
	s0 =	simm.s32 @!p1 $0x0  }
0x14: {  	s2 =	sld [smem:$0x3F8C];
	s0 =	simm.s32 @p1 $0x1  }
0x15: {  	[smem:$0x3FA9] =	sst s0;
	s0 =	simm.s32 @!p2 $0x0  }
0x16: {  	s3 =	sld [smem:$0x3FDB];
	s0 =	simm.s32 @p2 $0x1  }
0x17: {  	s4 =	simm.s32 $0x1BF5;
	[smem:$0x3FAB] =	sst s0  }
0x18: {  	s0 =	sld [smem:$0x3F8E];
	_ =	swait.ge [sflag:s4], $0x0  }
0x19: {  	s7 =	sld [smem:$0x3F8F]  }
0x1a: {  	s8 =	sadd.s32 $0xFFFFE003, lr  }
0x1b: {  	s9 =	sadd.s32 $0xFFFFFEF7, lr;
	s5 =	simm.s32 $0xFFFFFFFF;
	p2 =	slt.u32 s8, $0xFFFFF086  }
0x1c: {  	p1 =	slt.u32 s9, $0xF7A;
	s5 =	simm.s32 @!p2 $0x0  }
0x1d: {  	s5 =	simm.s32 @p1 $0x1;
	p0 =	seq.s32 s7, s2  }
0x1e: {  	s7 =	smul.u32 @!p0 $0xF7A, s2;
	p2 =	seq.s32 @!p0 s5, $0x0  }
0x1f: {  	s9 =	smul.u32 $0xF7A, s1;
	s8 =	simm.s32 @!p0 $0x1BF5;
	p2 =	por !p2, p0  }
0x20: {  	[sflag:s8] =	ssyncset.s32 @!p0 $0xFFFFF086;
	s6 =	sadd.s32 @!p0 s3, s7;
	s7 =	simm.s32 @!p0 $0x108  }
0x21: {  	s3 =	sadd.s32 s3, s9;
	s6 =	sadd.s32 @!p0 $0x88, s6;
	s7 =	simm.s32 @p2 $0x1082  }
0x22: {  	[simem:s7], [sflag:s8] =	dma.local @!p0 [hbm:s6], $0xF7A  }
0x23: {  	s9 =	sor.u32 $0xD0000000, s2;
	s6 =	simm.s32 $0x108;
	_ =	swait.ge @!p0 [sflag:s8], $0x0  }
0x24: {  	s3 =	sadd.s32 $0x88, s3;
	s6 =	simm.s32 @!p1 $0x1082;
	[sflag:s4] =	ssyncset.s32 $0xFFFFF086  }
0x25: {  	[simem:s6], [sflag:s4] =	dma.local [hbm:s3], $0xF7A  }
0x26: {  	[smem:$0x3F8F] =	sst s1;
	(tag) =	ssettag s2;
	_ =	strace s9  }
0x27: {  	s1 =	sld [smem:$0x3F9F]  }
0x28: {  	s2 =	sld [smem:$0x3FA0]  }
0x29: {  	s4 =	sld [smem:$0x3FA2]  }
0x2a: {  	p0 =	seq.s32 s5, $0x0;
	s5 =	sld [smem:$0x3FA3]  }
0x2b: {  	s6 =	sld [smem:$0x3FA4]  }
0x2c: {  	s7 =	sld [smem:$0x3FA5]  }
0x2d: {  	s3 =	simm.s32 $0x108;
	s8 =	sld [smem:$0x3FA6]  }
0x2e: {  	s3 =	simm.s32 @!p0 $0x1082;
	s9 =	sld [smem:$0x3FA7]  }
0x2f: {  	lr =	sadd.s32 s0, s3;
	s0 =	sld [smem:$0x3F9E]  }
0x30: {  	s3 =	sld [smem:$0x3FA1]  }
0x31: {  	[smem:$0x3FAA] =	sst s10  }
0x32: {  	s10 =	sld [smem:$0x3FA8];
	_ =	sdelay $0x3  }
0x33: {  	p0 =	seq.s32 s10, $0x1;
	s10 =	sld [smem:$0x3FAA];
	_ =	sdelay $0x3  }
0x34: {  	[smem:$0x3FAA] =	sst s10  }
0x35: {  	s10 =	sld [smem:$0x3FA9];
	_ =	sdelay $0x3  }
0x36: {  	p1 =	seq.s32 s10, $0x1;
	s10 =	sld [smem:$0x3FAA];
	_ =	sdelay $0x3  }
0x37: {  	[smem:$0x3FAA] =	sst s10  }
0x38: {  	s10 =	sld [smem:$0x3FAB]  }
0x39: {  	_ = 	snop;
	(pc) =	sbr.ind lr, $3  }
0x3a: {  	_ = 	snop  }
0x3b: {  	_ = 	snop  }
0x3c: {  	p2 =	seq.s32 s10, $0x1;
	s10 =	sld [smem:$0x3FAA]  }
0x3d: {  	_ =	shalt  }
0x3e: {  	_ =	shalt  }
0x3f: {  	_ =	shalt  }
0x40: {  	_ =	shalt  }
0x41: {  	_ =	shalt  }
0x42: {  	_ =	shalt  }
0x43: {  	_ =	shalt  }
0x44: {  	_ =	shalt  }
0x45: {  	_ =	shalt  }
0x46: {  	_ =	shalt  }
0x47: {  	_ =	shalt  }
0x48: {  	_ =	shalt  }
0x49: {  	_ =	shalt  }
0x4a: {  	_ =	shalt  }
0x4b: {  	_ =	shalt  }
0x4c: {  	_ =	shalt  }
0x4d: {  	_ =	shalt  }
0x4e: {  	_ =	shalt  }
0x4f: {  	_ =	shalt  }
0x50: {  	_ =	shalt  }
0x51: {  	_ =	shalt  }
0x52: {  	_ =	shalt  }
0x53: {  	_ =	shalt  }
0x54: {  	_ =	shalt  }
0x55: {  	_ =	shalt  }
0x56: {  	_ =	shalt  }
0x57: {  	_ =	shalt  }
0x58: {  	_ =	shalt  }
0x59: {  	_ =	shalt  }
0x5a: {  	_ =	shalt  }
0x5b: {  	_ =	shalt  }
0x5c: {  	_ =	shalt  }
0x5d: {  	_ =	shalt  }
0x5e: {  	_ =	shalt  }
0x5f: {  	_ =	shalt  }
0x60: {  	_ =	shalt  }
0x61: {  	_ =	shalt  }
0x62: {  	_ =	shalt  }
0x63: {  	_ =	shalt  }
0x64: {  	_ =	shalt  }
0x65: {  	_ =	shalt  }
0x66: {  	_ =	shalt  }
0x67: {  	_ =	shalt  }
0x68: {  	_ =	shalt  }
0x69: {  	_ =	shalt  }
0x6a: {  	_ =	shalt  }
0x6b: {  	_ =	shalt  }
0x6c: {  	_ =	shalt  }
0x6d: {  	_ =	shalt  }
0x6e: {  	_ =	shalt  }
0x6f: {  	_ =	shalt  }
0x70: {  	_ =	shalt  }
0x71: {  	_ =	shalt  }
0x72: {  	_ =	shalt  }
0x73: {  	_ =	shalt  }
0x74: {  	_ =	shalt  }
0x75: {  	_ =	shalt  }
0x76: {  	_ =	shalt  }
0x77: {  	_ =	shalt  }
0x78: {  	_ =	shalt  }
0x79: {  	_ =	shalt  }
0x7a: {  	_ =	shalt  }
0x7b: {  	_ =	shalt  }
0x7c: {  	_ =	shalt  }
0x7d: {  	_ =	shalt  }
0x7e: {  	_ =	shalt  }
0x7f: {  	_ =	shalt  }
0x80: {  	_ =	shalt  }
0x81: {  	_ =	shalt  }
0x82: {  	_ =	shalt  }
0x83: {  	_ =	shalt  }
0x84: {  	_ =	shalt  }
0x85: {  	_ =	shalt  }
0x86: {  	_ =	shalt  }
0x87: {  	_ =	shalt  }
.Lfunc_end0:
.L_simem_size_0:
called_computation_lowered:
.L_overlay_start_0:
0x88: {  	s2 =	sld [smem:$0x3FD9]  }
0x89: {  	s3 =	sld [smem:$0x3FFE];
	_ =	sdelay $0x1  }
0x8a: {  	s1 =	srdreg.scid  }
0x8b: {  	s0 =	sand.u32 $0x1, s1  }
0x8c: {  	s17 =	sshll.u32 s0, $0xA;
	s2 =	sadd.s32 s3, s2  }
0x8d: {  	s2 =	sadd.s32 s2, s17  }
0x8e: {  	[smem:$0x3FB6] =	sst s2  }
0x8f: {  	_ = 	snop  }
0x90: {  	s2 =	sld [smem:$0x3FD0];
	(tm) =	ssettm $0x1  }
0x91: {  	s18 =	sld [smem:$0x3FFB];
	_ =	sdelay $0x3  }
0x92: {  	_ =	strace s18  }
0x93: {  	s3 =	sld [smem:$0x3FFC];
	_ =	sdelay $0x3  }
0x94: {  	_ =	strace s3  }
0x95: {  	s3 =	sld [smem:$0x3FFD];
	_ =	sdelay $0x3  }
0x96: {  	_ =	strace s3  }
0x97: {  	_ =	strace $0x8FFFFFFF  }
0x98: {  	s19 =	sld [smem:$0x3FDB];
	_ =	sdelay $0x1  }
0x99: {  	s4 =	simm.s32 $_scs_section_size  }
0x9a: {  	s5 =	simm.s32 $_size__tile_overlayer_lowered;
	s6 =	simm.s32 $_tile_overlayer_lowered  }
0x9b: {  	s22 =	simm.s32 $0x1BFF;
	s21 =	sshll.u32 s6, $0x1;
	s3 =	sadd.s32 s4, s19  }
0x9c: {  	s7 =	simm.s32 $0x0;
	s20 =	sshll.u32 s5, $0x1;
	s5 =	sadd.s32 s21, s3  }
0x9d: {  	[timem:s7], [sflag:s22] =	dma.local [hbm:s5], s20  }
0x9e: {  	_ =	swait.ge [sflag:s22], s20  }
0x9f: {  	s4 =	ssub.s32 $0x0, s20;
	[sflag:s22] =	ssyncset.done $0x0  }
0xa0: {  	[sflag:s22] =	ssyncadd.s32 s4;
	_ =	sdelay $0x1  }
0xa1: {  	s23 =	simm.s32 $0x1B8B  }
0xa2: {  	_ =	swait.ge [sflag:s23], $0x1  }
0xa3: {  	[sflag:s23] =	ssyncset.done $0x0  }
0xa4: {  	s25 =	simm.s32 $0x1B8E;
	s24 =	sld [smem:$0x3FFE];
	[sflag:s23] =	ssyncadd.s32 $0xFFFFFFFF  }
0xa5: {  	s26 =	simm.s32 $execute0_lowered;
	[smem:$0x3FD2] =	sst s25  }
0xa6: {  	s5 =	sshll.u32 s26, $0x1;
	_ =	strace $0x80000046;
	[dreg:$0x1] =	wrdreg $0xFFFFFFFF  }
0xa7: {  	s28 =	simm.s32 $_size_execute0_lowered;
	s3 =	sadd.s32 s3, s5;
	[dreg:$0x0] =	wrdreg $0x0  }
0xa8: {  	s5 =	sshll.u32 s28, $0x1;
	[dreg:$0x2] =	wrdreg s3  }
0xa9: {  	[dreg:$0x3] =	wrdreg s5  }
0xaa: {  	[dreg:$0x4] =	wrdreg $0xC0  }
0xab: {  	_ =	task [dreg:s7], $0x5FFFF  }
0xac: {  	[dreg:$0x1] =	wrdreg $0xFFFFFFFF  }
0xad: {  	[dreg:$0x0] =	wrdreg $0x60  }
0xae: {  	[dreg:$0x2] =	wrdreg s2  }
0xaf: {  	[dreg:$0x3] =	wrdreg s24  }
0xb0: {  	[dreg:$0x4] =	wrdreg $0xA9000  }
0xb1: {  	[dreg:$0x5] =	wrdreg $0x9  }
0xb2: {  	_ =	task.clear_ibuf [dreg:s7], $0x6FFFF;
	_ =	strace $0x90000046  }
0xb3: {  	s29 =	simm.s32 $0x9;
	_ =	strace $0x80000048  }
0xb4: {  	_ =	swait.ge [sflag:s29], $0x1  }
0xb5: {  	[sflag:s29] =	ssyncadd.s32 $0xFFFFFFFF  }
0xb6: {  	_ =	strace $0x90000048  }
0xb7: {  	_ =	sfence  }
0xb8: {  	s30 =	sld [smem:$0x0];
	_ =	sdelay $0x2  }
0xb9: {  	s31 =	sshll.u32 s1, $0xD;
	s1 =	sshrl.u32 s1, $0x2  }
0xba: {  	s3 =	sand.u32 $0x4000, s31;
	s1 =	sadd.s32 s1, s30  }
0xbb: {  	s0 =	sor.u32 s3, s0;
	s1 =	sshll.u32 s1, $0x11  }
0xbc: {  	s0 =	sor.u32 s1, s0  }
0xbd: {  	s0 =	sadd.s32 $0x8F2B, s0  }
0xbe: {  	[sflag:s0] =	ssyncadd.remote.s32 $0x1  }
0xbf: {  	_ =	sfence.sel $0xFFFF  }
0xc0: {  	[dreg:$0x0] =	wrdreg $0xFFFFFFFF;
	(pc) =	sbr.abs _section_cstart, $3  }
0xc1: {  	[dreg:$0x1] =	wrdreg $0xFFFFFFFF  }
0xc2: {  	_ =	task.clear_ibuf [dreg:s7], $0x2FFFF;
	_ =	strace $0x9FFFFFFF  }
0xc3: {  	(tm) =	ssettm $0x7FFFFFFF  }
tec
execute0_lowered:
.L_overlay_start_1:
0x0: {  	(tag) =	ssettag $0x1  }
0x1: {  	s1 =	rddreg [dreg:$0x0]  }
0x2: {  	s7 =	rddreg [dreg:$0x1]  }
0x3: {  	s0 =	srdreg.scid;
	s3 =	rddreg [dreg:$0x2]  }
0x4: {  	s4 =	simm.s32 $0x0;
	s14 =	simm.s32 $0xA800;
	s15 =	simm.s32 $0x6800  }
0x5: {  	s17 =	simm.s32 $0xA880;
	s19 =	simm.s32 $0x1;
	s20 =	simm.s32 $0x3  }
0x6: {  	s21 =	simm.s32 $0x5;
	s22 =	simm.s32 $0x2;
	s6 =	sand.u32 $0x1, s0  }
0x7: {  	s23 =	simm.s32 $0x4;
	s0 =	stileid.u32;
	s8 =	smul.u32 $0x28000, s6  }
0x8: {  	[smem:$0x7FF] =	sst s4;
	s2 =	sshll.u32 s6, $0x4;
	s10 =	smul.u32 $0x50000, s0  }
0x9: {  	s6 =	ssub.s32 $0x2, s6;
	s31 =	sshll.u32 s0, $0x6;
	s25 =	smul.u32 $0x2800, s0  }
0xa: {  	s5 =	sor.u32 s0, s2;
	s2 =	rddreg [dreg:$0x3];
	_ =	strace $0x80000047  }
0xb: {  	s29 =	sshrl.u32 s6, $0x1;
	s5 =	smul.u32 $0x500, s5;
	s11 =	sadd.s32 s8, s7  }
0xc: {  	s30 =	sshrl.u32 s10, $0x2;
	s12 =	ssub.s32 s6, s29;
	s6 =	sor.u32 $0x1C06, s31  }
0xd: {  	s13 =	sadd.s32 s30, s3;
	s24 =	sadd.s32 $0x2DC00, s11;
	s11 =	simm.s32 $0x6  }
0xe: {  	s9 =	sadd.s32 s5, s7;
	s5 =	sadd.s32 $0x2B400, s7;
	s10 =	sshrl.u32 s13, $0x3  }
0xf: {  	s13 =	simm.s32 $0x2800;
	s24 =	sadd.s32 s25, s24;
	s25 =	simm.s32 $0x0  }
0x10: {  	s7 =	sadd.s32 $0x3400, s9;
	s8 =	sadd.s32 $0xD400, s9;
	s9 =	smax.u32 s12, $0x1  }
0x11: {  	s12 =	simm.s32 $0x80;
	s16 =	sadd.s32 $0x10, s8;
	s18 =	sadd.s32 $0x30, s8  }
.LBB2_1:
0x12: {  	[spmem:s10], [sflag:s6] =	dma.local [hbm:s5], $0x2800  }
0x13: {  	_ =	swait.ge [sflag:s11], $0x2800  }
0x14: {  	[sflag:s11] =	ssyncset.done $0x0  }
0x15: {  	[sflag:s11] =	ssyncadd.s32 $0xFFFFD800  }
0x16: {  	[tilespmem:s4], [sflag:$0x6] =	stream.linear.gather [hbm4b:s7+s4], $0x2800, $0x38;
	[tilespmem:$0x1E900] =	vst v63  }
0x17: {  	_ =	swait.ge [sflag:s11], $0x2800  }
0x18: {  	[sflag:s11] =	ssyncset.done $0x0  }
0x19: {  	[sflag:s11] =	ssyncadd.s32 $0xFFFFD800  }
0x1a: {  	[bflag:$0x0] =	sbarrier.arrive $0xFFFF  }
0x1b: {  	[tilespmem:s13], [sflag:$0x1] =	stream.indirect.gather [hbm4b:s1+s12], $0x80, s4, s12, $0xb8;
	[tilespmem:$0x1E900] =	vst v63  }
0x1c: {  	_ = 	snop  }
0x1d: {  	[tilespmem:s14], [sflag:$0x3] =	stream.linear.gather [hbm4b:s8+s4], $0x80, $0x38;
	[tilespmem:$0x1E900] =	vst v63  }
0x1e: {  	_ = 	snop  }
0x1f: {  	[tilespmem:s15], [sflag:$0x2] =	stream.indirect.gather [hbm4b:s1+s12], $0x80, s12, s12, $0xb8;
	[tilespmem:$0x1E900] =	vst v63  }
0x20: {  	_ = 	snop  }
0x21: {  	[tilespmem:s17], [sflag:$0x4] =	stream.linear.gather [hbm4b:s16+s4], $0x80, $0x38;
	[tilespmem:$0x1E900] =	vst v63  }
0x22: {  	_ =	swait.ge [sflag:s19], $0x4000  }
0x23: {  	[sflag:s19] =	ssyncset.done $0x0  }
0x24: {  	[sflag:s19] =	ssyncadd.s32 $0xFFFFC000  }
0x25: {  	_ =	swait.ge [sflag:s20], $0x80  }
0x26: {  	[sflag:s20] =	ssyncset.done $0x0  }
0x27: {  	[sflag:s20] =	ssyncadd.s32 $0xFFFFFF80  }
0x28: {  	[spmem:s3] =	stream.indirect.scatter.add.f32 [tilespmem:s13], [sflag:$0x5], $0x80, s14, s12, $0xb8;
	[tilespmem:$0x1E900] =	vst v63  }
0x29: {  	_ =	swait.ge [sflag:s21], $0x4000  }
0x2a: {  	[sflag:s21] =	ssyncset.done $0x0  }
0x2b: {  	s26 =	simm.s32 $0x100;
	[sflag:s21] =	ssyncadd.s32 $0xFFFFC000  }
0x2c: {  	[tilespmem:s13], [sflag:$0x1] =	stream.indirect.gather [hbm4b:s1+s12], $0x80, s26, s12, $0xb8;
	[tilespmem:$0x1E900] =	vst v63  }
0x2d: {  	s30 =	sadd.s32 $0xFFFFFFF0, s18  }
0x2e: {  	[tilespmem:s14], [sflag:$0x3] =	stream.linear.gather [hbm4b:s30+s4], $0x80, $0x38;
	[tilespmem:$0x1E900] =	vst v63  }
0x2f: {  	_ =	swait.ge [sflag:s22], $0x4000  }
0x30: {  	[sflag:s22] =	ssyncset.done $0x0  }
0x31: {  	[sflag:s22] =	ssyncadd.s32 $0xFFFFC000  }
0x32: {  	_ =	swait.ge [sflag:s23], $0x80  }
0x33: {  	[sflag:s23] =	ssyncset.done $0x0  }
0x34: {  	[sflag:s23] =	ssyncadd.s32 $0xFFFFFF80  }
0x35: {  	[spmem:s3] =	stream.indirect.scatter.add.f32 [tilespmem:s15], [sflag:$0x5], $0x80, s17, s12, $0xb8;
	[tilespmem:$0x1E900] =	vst v63  }
0x36: {  	_ =	swait.ge [sflag:s21], $0x4000  }
0x37: {  	s31 =	simm.s32 $0x180;
	s28 =	sadd.s32 $0x20, s18;
	[sflag:s21] =	ssyncset.done $0x0  }
0x38: {  	s29 =	smov.u32 s18;
	s26 =	simm.s32 $0xFFFF6800;
	[sflag:s21] =	ssyncadd.s32 $0xFFFFC000  }
0x39: {  	[tilespmem:s15], [sflag:$0x2] =	stream.indirect.gather [hbm4b:s1+s12], $0x80, s31, s12, $0xb8;
	[tilespmem:$0x1E900] =	vst v63  }
.LBB2_2:
0x3a: {  	[tilespmem:s17], [sflag:$0x4] =	stream.linear.gather [hbm4b:s29+s4], $0x80, $0x38;
	[tilespmem:$0x1E900] =	vst v63  }
0x3b: {  	s30 =	smov.u32 s26;
	s29 =	smov.u32 s28  }
0x3c: {  	p0 =	sne.s32 s26, $0xFFFFFC00;
	s26 =	sadd.s32 $0x400, s26;
	_ =	swait.ge [sflag:s19], $0x4000  }
0x3d: {  	[sflag:s19] =	ssyncset.done $0x0  }
0x3e: {  	[sflag:s19] =	ssyncadd.s32 $0xFFFFC000  }
0x3f: {  	_ =	swait.ge [sflag:s20], $0x80  }
0x40: {  	[sflag:s20] =	ssyncset.done $0x0  }
0x41: {  	[sflag:s20] =	ssyncadd.s32 $0xFFFFFF80  }
0x42: {  	[spmem:s3] =	stream.indirect.scatter.add.f32 [tilespmem:s13], [sflag:$0x5], $0x80, s14, s12, $0xb8;
	[tilespmem:$0x1E900] =	vst v63  }
0x43: {  	_ =	swait.ge [sflag:s21], $0x4000  }
0x44: {  	s30 =	sshra.s32 s30, $0x2;
	[sflag:s21] =	ssyncset.done $0x0  }
0x45: {  	s31 =	sadd.s32 $0x2800, s30;
	[sflag:s21] =	ssyncadd.s32 $0xFFFFC000  }
0x46: {  	[tilespmem:s13], [sflag:$0x1] =	stream.indirect.gather [hbm4b:s1+s12], $0x80, s31, s12, $0xb8;
	[tilespmem:$0x1E900] =	vst v63  }
0x47: {  	s31 =	sadd.s32 $0xFFFFFFF0, s28  }
0x48: {  	[tilespmem:s14], [sflag:$0x3] =	stream.linear.gather [hbm4b:s31+s4], $0x80, $0x38;
	[tilespmem:$0x1E900] =	vst v63  }
0x49: {  	_ =	swait.ge [sflag:s22], $0x4000  }
0x4a: {  	[sflag:s22] =	ssyncset.done $0x0  }
0x4b: {  	[sflag:s22] =	ssyncadd.s32 $0xFFFFC000  }
0x4c: {  	_ =	swait.ge [sflag:s23], $0x80  }
0x4d: {  	[sflag:s23] =	ssyncset.done $0x0  }
0x4e: {  	[sflag:s23] =	ssyncadd.s32 $0xFFFFFF80  }
0x4f: {  	[spmem:s3] =	stream.indirect.scatter.add.f32 [tilespmem:s15], [sflag:$0x5], $0x80, s17, s12, $0xb8;
	[tilespmem:$0x1E900] =	vst v63  }
.Ltmp0:
0x50: {  	_ =	swait.ge [sflag:s21], $0x4000;
	(pc) =	sbr.rel @p0 .LBB2_2-.Ltmp0, $4  }
0x51: {  	[sflag:s21] =	ssyncset.done $0x0  }
0x52: {  	s30 =	sadd.s32 $0x2880, s30;
	[sflag:s21] =	ssyncadd.s32 $0xFFFFC000  }
0x53: {  	[tilespmem:s15], [sflag:$0x2] =	stream.indirect.gather [hbm4b:s1+s12], $0x80, s30, s12, $0xb8;
	[tilespmem:$0x1E900] =	vst v63  }
0x54: {  	s28 =	sadd.s32 $0x20, s28  }
0x55: {  	[tilespmem:s17], [sflag:$0x4] =	stream.linear.gather [hbm4b:s29+s4], $0x80, $0x38;
	[tilespmem:$0x1E900] =	vst v63  }
0x56: {  	_ =	swait.ge [sflag:s19], $0x4000  }
0x57: {  	[sflag:s19] =	ssyncset.done $0x0  }
0x58: {  	[sflag:s19] =	ssyncadd.s32 $0xFFFFC000  }
0x59: {  	_ =	swait.ge [sflag:s20], $0x80  }
0x5a: {  	[sflag:s20] =	ssyncset.done $0x0  }
0x5b: {  	[sflag:s20] =	ssyncadd.s32 $0xFFFFFF80  }
0x5c: {  	[spmem:s3] =	stream.indirect.scatter.add.f32 [tilespmem:s13], [sflag:$0x5], $0x80, s14, s12, $0xb8;
	[tilespmem:$0x1E900] =	vst v63  }
0x5d: {  	_ =	swait.ge [sflag:s21], $0x4000  }
0x5e: {  	[sflag:s21] =	ssyncset.done $0x0  }
0x5f: {  	[sflag:s21] =	ssyncadd.s32 $0xFFFFC000  }
0x60: {  	[tilespmem:s13], [sflag:$0x1] =	stream.indirect.gather [hbm4b:s1+s12], $0x80, s4, s12, $0xb8;
	[tilespmem:$0x1E900] =	vst v63  }
0x61: {  	_ = 	snop  }
0x62: {  	[tilespmem:s14], [sflag:$0x3] =	stream.linear.gather [hbm4b:s8+s4], $0x80, $0x38;
	[tilespmem:$0x1E900] =	vst v63  }
0x63: {  	_ =	swait.ge [sflag:s22], $0x4000  }
0x64: {  	[sflag:s22] =	ssyncset.done $0x0  }
0x65: {  	[sflag:s22] =	ssyncadd.s32 $0xFFFFC000  }
0x66: {  	_ =	swait.ge [sflag:s23], $0x80  }
0x67: {  	[sflag:s23] =	ssyncset.done $0x0  }
0x68: {  	[sflag:s23] =	ssyncadd.s32 $0xFFFFFF80  }
0x69: {  	[spmem:s3] =	stream.indirect.scatter.add.f32 [tilespmem:s15], [sflag:$0x5], $0x80, s17, s12, $0xb8;
	[tilespmem:$0x1E900] =	vst v63  }
0x6a: {  	_ =	swait.ge [sflag:s21], $0x4000  }
0x6b: {  	[sflag:s21] =	ssyncset.done $0x0  }
0x6c: {  	[sflag:s21] =	ssyncadd.s32 $0xFFFFC000  }
0x6d: {  	[tilespmem:s15], [sflag:$0x2] =	stream.indirect.gather [hbm4b:s1+s12], $0x80, s12, s12, $0xb8;
	[tilespmem:$0x1E900] =	vst v63  }
0x6e: {  	_ = 	snop  }
0x6f: {  	[tilespmem:s17], [sflag:$0x4] =	stream.linear.gather [hbm4b:s16+s4], $0x80, $0x38;
	[tilespmem:$0x1E900] =	vst v63  }
0x70: {  	_ =	swait.ge [sflag:s19], $0x4000  }
0x71: {  	[sflag:s19] =	ssyncset.done $0x0  }
0x72: {  	[sflag:s19] =	ssyncadd.s32 $0xFFFFC000  }
0x73: {  	_ =	swait.ge [sflag:s20], $0x80  }
0x74: {  	[sflag:s20] =	ssyncset.done $0x0  }
0x75: {  	[sflag:s20] =	ssyncadd.s32 $0xFFFFFF80  }
0x76: {  	_ =	swait.ge [sflag:s22], $0x4000  }
0x77: {  	[sflag:s22] =	ssyncset.done $0x0  }
0x78: {  	[sflag:s22] =	ssyncadd.s32 $0xFFFFC000  }
0x79: {  	_ =	swait.ge [sflag:s23], $0x80  }
0x7a: {  	s25 =	sadd.s32 $0x1, s25;
	[sflag:s23] =	ssyncset.done $0x0  }
0x7b: {  	p0 =	sne.s32 s25, s9;
	[sflag:s23] =	ssyncadd.s32 $0xFFFFFF80  }
.Ltmp1:
0x7c: {  	[bflag:$0x0] =	sbarrier.arrive $0xFFFF;
	(pc) =	sbr.rel @p0 .LBB2_1-.Ltmp1, $4  }
0x7d: {  	[hbm:s24], [sflag:s6] =	dma.local [spmem:s10], $0x2800  }
0x7e: {  	_ =	swait.ge [sflag:s11], $0x2800  }
0x7f: {  	[sflag:s11] =	ssyncset.done $0x0  }
0x80: {  	[sflag:s11] =	ssyncadd.s32 $0xFFFFD800  }
0x81: {  	_ =	sfence.sel $0x180000  }
0x82: {  	[bflag:$0x0] =	sbarrier.arrive $0xFFFF  }
0x83: {  	p0 =	sne.s32 s0, $0x0;
	_ =	strace $0x90000047  }
0x84: {  	s0 =	sadd.s32 @!p0 $0x100000, s2;
	[bflag:$0x2] =	sbarrier.arrive $0xFFFF  }
0x85: {  	[sflag:s0] =	ssyncadd.tile.s32 @!p0 $0x1;
	_ =	shalt  }
.Lfunc_end2:
_tile_overlayer_lowered:
.L_overlay_start_2:
0x86: {  	(tag) =	ssettag $0x2  }
0x87: {  	s0 =	rddreg [dreg:$0x0];
	s2 =	stileid.u32  }
0x88: {  	s1 =	rddreg [dreg:$0x1];
	p0 =	sne.s32 s2, $0x0  }
0x89: {  	s3 =	rddreg [dreg:$0x2];
	[bflag:$0x3] =	sbarrier.arrive $0xFFFF;
	s2 =	simm.s32 @!p0 $0x1C06  }
0x8a: {  	[timem:s3], [sflag:s2] =	dma.local @!p0 [hbm:s0], s1  }
0x8b: {  	s0 =	simm.s32 @!p0 $0x6  }
0x8c: {  	_ =	swait.ge @!p0 [sflag:s0], s1  }
0x8d: {  	s1 =	ssub.s32 @!p0 $0x0, s1;
	[sflag:s0] =	ssyncset.done @!p0 $0x0  }
0x8e: {  	[sflag:s0] =	ssyncadd.s32 @!p0 s1  }
0x8f: {  	[bflag:$0x3] =	sbarrier.arrive $0xFFFF  }
0x90: {  	_ =	shalt  }

</sc_bundles>
